<compile_context>
chip_gen: v7x
topology: tpu7x:2x2x1
jax: 0.10.2.dev20260603
libtpu: 0.0.44.dev20260713+nightly
codegen_flags: <defaults>
</compile_context>

<pallas_src>
import math

import jax
import jax.numpy as jnp
from jax.experimental import pallas as pl

_SKELETON = [(0, 1), (1, 20), (2, 20), (3, 2), (4, 20), (5, 4), (6, 5),
             (7, 6), (8, 20), (9, 8), (10, 9), (11, 10), (12, 0), (13, 12),
             (14, 13), (15, 14), (16, 0), (17, 16), (18, 17), (19, 18),
             (21, 22), (22, 7), (23, 24), (24, 11)]
_NUM_JOINTS = 25
_BATCH = 4096
_B_BLK = 256

_NEI = [[] for _ in range(_NUM_JOINTS)]
for _a, _b in _SKELETON:
    _NEI[_a].append(_b)
    _NEI[_b].append(_a)


def _agg(h3):
    outs = []
    for i in range(_NUM_JOINTS):
        s = h3[_NEI[i][0]]
        for j in _NEI[i][1:]:
            s = s + h3[j]
        outs.append((s * (1.0 / len(_NEI[i])))[None])
    return jnp.concatenate(outs, axis=0)


def _sage_kernel(x_ref, w0_ref, c0_ref, w1_ref, c1_ref, w2_ref, c2_ref,
                 out_ref):
    bf16 = jnp.bfloat16
    h3 = x_ref[...]
    nb = h3.shape[1]
    rows = _NUM_JOINTS * nb
    hb = h3.reshape(rows, h3.shape[2]).astype(bf16)

    u = jnp.dot(hb, w0_ref[...],
                preferred_element_type=jnp.float32).astype(bf16)
    d = u.shape[1] // 3
    a = _agg(u[:, :d].reshape(_NUM_JOINTS, nb, d)).reshape(rows, d)
    t = a + u[:, d:2 * d] + c0_ref[:, :d]
    h = jnp.maximum(t, 0.0) + u[:, 2 * d:] + c0_ref[:, d:]

    for w_ref, c_ref in ((w1_ref, c1_ref), (w2_ref, c2_ref)):
        u = jnp.dot(h, w_ref[...],
                    preferred_element_type=jnp.float32).astype(bf16)
        d = u.shape[1] // 2
        a = _agg(u[:, :d].reshape(_NUM_JOINTS, nb, d)).reshape(rows, d)
        t = a + u[:, d:] + c_ref[...]
        h = jnp.maximum(t, 0.0) + h

    out_ref[...] = h.reshape(_NUM_JOINTS, nb, h.shape[1]).astype(jnp.float32)


def kernel(x, edge_src, edge_dst, params):
    del edge_src, edge_dst
    eps = 1e-5
    s = 1.0 / math.sqrt(1.0 + eps)
    bf16 = jnp.bfloat16

    ws, cs = [], []
    for i in range(3):
        g = params[f"bn_g_{i}"] * s
        wl = params[f"lin_l_w_{i}"] * g[None, :]
        wr = params[f"lin_r_w_{i}"] * g[None, :]
        if i == 0:
            w = jnp.concatenate([wl, wr, params["proj_w_0"]], axis=1)
        else:
            w = jnp.concatenate([wl, wr], axis=1)
        ws.append(w.astype(bf16))
        cs.append((params[f"lin_l_b_{i}"] * g
                   + params[f"bn_b_{i}"])[None, :].astype(bf16))

    dout = params["lin_l_w_2"].shape[1]
    xt = x.transpose(1, 0, 2)

    weights = [ws[0], jnp.concatenate(
        [cs[0], params["proj_b_0"][None, :].astype(bf16)], axis=1),
        ws[1], cs[1], ws[2], cs[2]]
    wspecs = [pl.BlockSpec(w.shape, lambda b: (0, 0)) for w in weights]
    out = pl.pallas_call(
        _sage_kernel,
        grid=(_BATCH // _B_BLK,),
        in_specs=[
            pl.BlockSpec((_NUM_JOINTS, _B_BLK, x.shape[2]), lambda b: (0, b, 0)),
        ] + wspecs,
        out_specs=pl.BlockSpec((_NUM_JOINTS, _B_BLK, dout), lambda b: (0, b, 0)),
        out_shape=jax.ShapeDtypeStruct((_NUM_JOINTS, _BATCH, dout), jnp.float32),
    )(xt, *weights)

    return out.reshape(_BATCH, _NUM_JOINTS, dout)

# --- scband reference (transcript-rebuilt; emitter-appended) ---
"""Pipeline reference for scband-spatial-graph-sage-56401510531289 (READ-ONLY COPY).

The authoritative reference and input builder live on the scoring server;
editing this copy changes nothing except your own understanding.
"""

import jax, jax.numpy as jnp
import numpy as np

SKELETON = [(0,1),(1,20),(2,20),(3,2),(4,20),(5,4),(6,5),(7,6),(8,20),(9,8),(10,9),(11,10),(12,0),(13,12),(14,13),(15,14),(16,0),(17,16),(18,17),(19,18),(21,22),(22,7),(23,24),(24,11)]
NUM_JOINTS = 25
DIMS = [128, 256, 256, 256]
BATCH = 4096


def _build_edges():
    e = []
    for i, j in SKELETON:
        e.append((i, j))
        e.append((j, i))
    e = np.array(e, dtype=np.int64).T  # [2, 48]
    E = e.shape[1]
    offs = np.arange(BATCH, dtype=np.int64) * NUM_JOINTS
    src = np.tile(e[0], BATCH) + np.repeat(offs, E)
    dst = np.tile(e[1], BATCH) + np.repeat(offs, E)
    return jnp.asarray(src), jnp.asarray(dst)


def setup_inputs(seed: int = 0) -> dict:
    key = jax.random.key(seed)
    ks = jax.random.split(key, 16)
    inp = {}
    inp["x"] = jax.random.normal(ks[0], (BATCH, NUM_JOINTS, DIMS[0]), dtype=jnp.float32)
    src, dst = _build_edges()
    inp["edge_src"] = src
    inp["edge_dst"] = dst
    params = {}
    k = 1
    for i in range(3):
        din, dout = DIMS[i], DIMS[i + 1]
        params[f"lin_l_w_{i}"] = (jax.random.normal(ks[k], (din, dout), dtype=jnp.float32) / np.sqrt(din)); k += 1
        params[f"lin_l_b_{i}"] = jnp.zeros((dout,), jnp.float32)
        params[f"lin_r_w_{i}"] = (jax.random.normal(ks[k], (din, dout), dtype=jnp.float32) / np.sqrt(din)); k += 1
        params[f"bn_g_{i}"] = jnp.ones((dout,), jnp.float32)
        params[f"bn_b_{i}"] = jnp.zeros((dout,), jnp.float32)
    params["proj_w_0"] = (jax.random.normal(ks[k], (DIMS[0], DIMS[1]), dtype=jnp.float32) / np.sqrt(DIMS[0]))
    params["proj_b_0"] = jnp.zeros((DIMS[1],), jnp.float32)
    inp["params"] = params
    return inp


def _forward(x, params, edge_src, edge_dst):
    N = BATCH * NUM_JOINTS
    h = x.reshape(N, DIMS[0])
    deg = jax.ops.segment_sum(jnp.ones_like(edge_dst, dtype=jnp.float32), edge_dst, num_segments=N)
    deg = jnp.clip(deg, 1.0, None)[:, None]
    eps = 1e-5
    for i in range(3):
        if i == 0:
            res = h @ params["proj_w_0"] + params["proj_b_0"]
        else:
            res = h  # Identity proj when dims match
        # SAGEConv(aggr='mean'): lin_l(mean_{j->i} x_j) + lin_r(x_i)
        agg = jax.ops.segment_sum(h[edge_src], edge_dst, num_segments=N) / deg
        h2 = agg @ params[f"lin_l_w_{i}"] + params[f"lin_l_b_{i}"] + h @ params[f"lin_r_w_{i}"]
        # BatchNorm1d in eval mode with fresh running stats (mean=0, var=1)
        h2 = h2 / jnp.sqrt(1.0 + eps) * params[f"bn_g_{i}"] + params[f"bn_b_{i}"]
        h2 = jax.nn.relu(h2)
        h = h2 + res
        # dropout inactive in eval mode
    return h.reshape(BATCH, NUM_JOINTS, DIMS[-1])


def reference(x, edge_src, edge_dst, params):
    return _forward(x, params, edge_src, edge_dst)

if __name__ == "__main__":
    import jax
    _d = setup_inputs()
    print(jax.jit(kernel)(*tuple(_d.values())))

</pallas_src>

<mosaic_0001>
module attributes {stable_mosaic.version = 14 : i64} {
  func.func @_sage_kernel(%arg0: i32, %arg1: memref<25x256x128xf32, #tpu.memory_space<vmem>>, %arg2: memref<128x768xbf16, #tpu.memory_space<vmem>>, %arg3: memref<1x512xbf16, #tpu.memory_space<vmem>>, %arg4: memref<256x512xbf16, #tpu.memory_space<vmem>>, %arg5: memref<1x256xbf16, #tpu.memory_space<vmem>>, %arg6: memref<256x512xbf16, #tpu.memory_space<vmem>>, %arg7: memref<1x256xbf16, #tpu.memory_space<vmem>>, %arg8: memref<25x256x256xf32, #tpu.memory_space<vmem>>) attributes {dimension_semantics = [#tpu.dimension_semantics<arbitrary>], iteration_bounds = array<i64: 16>, scalar_prefetch = 0 : i64, scratch_operands = 0 : i64, tpu.core_type = #tpu.core_type<tc>, window_params = [{transform_indices = @transform_0, window_bounds = array<i64: 25, 256, 128>}, {pipeline_mode = #tpu.pipeline_mode<synchronous>, transform_indices = @transform_1, window_bounds = array<i64: 128, 768>}, {pipeline_mode = #tpu.pipeline_mode<synchronous>, transform_indices = @transform_2, window_bounds = array<i64: 1, 512>}, {pipeline_mode = #tpu.pipeline_mode<synchronous>, transform_indices = @transform_3, window_bounds = array<i64: 256, 512>}, {pipeline_mode = #tpu.pipeline_mode<synchronous>, transform_indices = @transform_4, window_bounds = array<i64: 1, 256>}, {pipeline_mode = #tpu.pipeline_mode<synchronous>, transform_indices = @transform_5, window_bounds = array<i64: 256, 512>}, {pipeline_mode = #tpu.pipeline_mode<synchronous>, transform_indices = @transform_6, window_bounds = array<i64: 1, 256>}, {transform_indices = @transform_7, window_bounds = array<i64: 25, 256, 256>}]} {
    %get3A = arith.constant 0 : index
    %get3A_0 = arith.constant 0 : index
    %get3A_1 = arith.constant 0 : index
    %get3A_2 = vector.load %arg1[%get3A, %get3A_0, %get3A_1] : memref<25x256x128xf32, #tpu.memory_space<vmem>>, vector<25x256x128xf32>
    %reshape3A = vector.shape_cast %get3A_2 : vector<25x256x128xf32> to vector<6400x128xf32>
    %convert_element_type3A = arith.truncf %reshape3A : vector<6400x128xf32> to vector<6400x128xbf16>
    %get3A_3 = arith.constant 0 : index
    %get3A_4 = arith.constant 0 : index
    %get3A_5 = vector.load %arg2[%get3A_3, %get3A_4] : memref<128x768xbf16, #tpu.memory_space<vmem>>, vector<128x768xbf16>
    %dot_general3A = arith.constant dense<0.000000e+00> : vector<6400x768xf32>
    %dot_general3A_6 = tpu.matmul %convert_element_type3A, %get3A_5, %dot_general3A {dimension_numbers = #tpu.dot_dimension_numbers<[1], [0], [0], [1], [0, 0, 1, 1], [], []>, transpose_lhs_hint = false} : vector<6400x128xbf16>, vector<128x768xbf16>, vector<6400x768xf32> -> vector<6400x768xf32>
    %convert_element_type3A_7 = arith.truncf %dot_general3A_6 : vector<6400x768xf32> to vector<6400x768xbf16>
    %slice3A = vector.extract_strided_slice %convert_element_type3A_7 {offsets = [0, 0], sizes = [6400, 256], strides = [1, 1]} : vector<6400x768xbf16> to vector<6400x256xbf16>
    %reshape3A_8 = vector.shape_cast %slice3A : vector<6400x256xbf16> to vector<25x256x256xbf16>
    %slice3A_9 = vector.extract_strided_slice %reshape3A_8 {offsets = [1, 0, 0], sizes = [1, 256, 256], strides = [1, 1, 1]} : vector<25x256x256xbf16> to vector<1x256x256xbf16>
    %squeeze3A = vector.shape_cast %slice3A_9 : vector<1x256x256xbf16> to vector<256x256xbf16>
    %slice3A_10 = vector.extract_strided_slice %reshape3A_8 {offsets = [12, 0, 0], sizes = [1, 256, 256], strides = [1, 1, 1]} : vector<25x256x256xbf16> to vector<1x256x256xbf16>
    %squeeze3A_11 = vector.shape_cast %slice3A_10 : vector<1x256x256xbf16> to vector<256x256xbf16>
    %add3A = arith.addf %squeeze3A, %squeeze3A_11 : vector<256x256xbf16>
    %slice3A_12 = vector.extract_strided_slice %reshape3A_8 {offsets = [16, 0, 0], sizes = [1, 256, 256], strides = [1, 1, 1]} : vector<25x256x256xbf16> to vector<1x256x256xbf16>
    %squeeze3A_13 = vector.shape_cast %slice3A_12 : vector<1x256x256xbf16> to vector<256x256xbf16>
    %add3A_14 = arith.addf %add3A, %squeeze3A_13 : vector<256x256xbf16>
    %mul3A = arith.constant 3.339840e-01 : bf16
    %mul3A_15 = vector.broadcast %mul3A : bf16 to vector<256x256xbf16>
    %mul3A_16 = arith.mulf %add3A_14, %mul3A_15 : vector<256x256xbf16>
    %broadcast_in_dim3A = vector.shape_cast %mul3A_16 : vector<256x256xbf16> to vector<1x256x256xbf16>
    %slice3A_17 = vector.extract_strided_slice %reshape3A_8 {offsets = [0, 0, 0], sizes = [1, 256, 256], strides = [1, 1, 1]} : vector<25x256x256xbf16> to vector<1x256x256xbf16>
    %squeeze3A_18 = vector.shape_cast %slice3A_17 : vector<1x256x256xbf16> to vector<256x256xbf16>
    %slice3A_19 = vector.extract_strided_slice %reshape3A_8 {offsets = [20, 0, 0], sizes = [1, 256, 256], strides = [1, 1, 1]} : vector<25x256x256xbf16> to vector<1x256x256xbf16>
    %squeeze3A_20 = vector.shape_cast %slice3A_19 : vector<1x256x256xbf16> to vector<256x256xbf16>
    %add3A_21 = arith.addf %squeeze3A_18, %squeeze3A_20 : vector<256x256xbf16>
    %mul3A_22 = arith.constant 5.000000e-01 : bf16
    %mul3A_23 = vector.broadcast %mul3A_22 : bf16 to vector<256x256xbf16>
    %mul3A_24 = arith.mulf %add3A_21, %mul3A_23 : vector<256x256xbf16>
    %broadcast_in_dim3A_25 = vector.shape_cast %mul3A_24 : vector<256x256xbf16> to vector<1x256x256xbf16>
    %slice3A_26 = vector.extract_strided_slice %reshape3A_8 {offsets = [20, 0, 0], sizes = [1, 256, 256], strides = [1, 1, 1]} : vector<25x256x256xbf16> to vector<1x256x256xbf16>
    %squeeze3A_27 = vector.shape_cast %slice3A_26 : vector<1x256x256xbf16> to vector<256x256xbf16>
    %slice3A_28 = vector.extract_strided_slice %reshape3A_8 {offsets = [3, 0, 0], sizes = [1, 256, 256], strides = [1, 1, 1]} : vector<25x256x256xbf16> to vector<1x256x256xbf16>
    %squeeze3A_29 = vector.shape_cast %slice3A_28 : vector<1x256x256xbf16> to vector<256x256xbf16>
    %add3A_30 = arith.addf %squeeze3A_27, %squeeze3A_29 : vector<256x256xbf16>
    %mul3A_31 = arith.constant 5.000000e-01 : bf16
    %mul3A_32 = vector.broadcast %mul3A_31 : bf16 to vector<256x256xbf16>
    %mul3A_33 = arith.mulf %add3A_30, %mul3A_32 : vector<256x256xbf16>
    %broadcast_in_dim3A_34 = vector.shape_cast %mul3A_33 : vector<256x256xbf16> to vector<1x256x256xbf16>
    %slice3A_35 = vector.extract_strided_slice %reshape3A_8 {offsets = [2, 0, 0], sizes = [1, 256, 256], strides = [1, 1, 1]} : vector<25x256x256xbf16> to vector<1x256x256xbf16>
    %squeeze3A_36 = vector.shape_cast %slice3A_35 : vector<1x256x256xbf16> to vector<256x256xbf16>
    %mul3A_37 = arith.constant 1.000000e+00 : bf16
    %mul3A_38 = vector.broadcast %mul3A_37 : bf16 to vector<256x256xbf16>
    %mul3A_39 = arith.mulf %squeeze3A_36, %mul3A_38 : vector<256x256xbf16>
    %broadcast_in_dim3A_40 = vector.shape_cast %mul3A_39 : vector<256x256xbf16> to vector<1x256x256xbf16>
    %slice3A_41 = vector.extract_strided_slice %reshape3A_8 {offsets = [20, 0, 0], sizes = [1, 256, 256], strides = [1, 1, 1]} : vector<25x256x256xbf16> to vector<1x256x256xbf16>
    %squeeze3A_42 = vector.shape_cast %slice3A_41 : vector<1x256x256xbf16> to vector<256x256xbf16>
    %slice3A_43 = vector.extract_strided_slice %reshape3A_8 {offsets = [5, 0, 0], sizes = [1, 256, 256], strides = [1, 1, 1]} : vector<25x256x256xbf16> to vector<1x256x256xbf16>
    %squeeze3A_44 = vector.shape_cast %slice3A_43 : vector<1x256x256xbf16> to vector<256x256xbf16>
    %add3A_45 = arith.addf %squeeze3A_42, %squeeze3A_44 : vector<256x256xbf16>
    %mul3A_46 = arith.constant 5.000000e-01 : bf16
    %mul3A_47 = vector.broadcast %mul3A_46 : bf16 to vector<256x256xbf16>
    %mul3A_48 = arith.mulf %add3A_45, %mul3A_47 : vector<256x256xbf16>
    %broadcast_in_dim3A_49 = vector.shape_cast %mul3A_48 : vector<256x256xbf16> to vector<1x256x256xbf16>
    %slice3A_50 = vector.extract_strided_slice %reshape3A_8 {offsets = [4, 0, 0], sizes = [1, 256, 256], strides = [1, 1, 1]} : vector<25x256x256xbf16> to vector<1x256x256xbf16>
    %squeeze3A_51 = vector.shape_cast %slice3A_50 : vector<1x256x256xbf16> to vector<256x256xbf16>
    %slice3A_52 = vector.extract_strided_slice %reshape3A_8 {offsets = [6, 0, 0], sizes = [1, 256, 256], strides = [1, 1, 1]} : vector<25x256x256xbf16> to vector<1x256x256xbf16>
    %squeeze3A_53 = vector.shape_cast %slice3A_52 : vector<1x256x256xbf16> to vector<256x256xbf16>
    %add3A_54 = arith.addf %squeeze3A_51, %squeeze3A_53 : vector<256x256xbf16>
    %mul3A_55 = arith.constant 5.000000e-01 : bf16
    %mul3A_56 = vector.broadcast %mul3A_55 : bf16 to vector<256x256xbf16>
    %mul3A_57 = arith.mulf %add3A_54, %mul3A_56 : vector<256x256xbf16>
    %broadcast_in_dim3A_58 = vector.shape_cast %mul3A_57 : vector<256x256xbf16> to vector<1x256x256xbf16>
    %slice3A_59 = vector.extract_strided_slice %reshape3A_8 {offsets = [5, 0, 0], sizes = [1, 256, 256], strides = [1, 1, 1]} : vector<25x256x256xbf16> to vector<1x256x256xbf16>
    %squeeze3A_60 = vector.shape_cast %slice3A_59 : vector<1x256x256xbf16> to vector<256x256xbf16>
    %slice3A_61 = vector.extract_strided_slice %reshape3A_8 {offsets = [7, 0, 0], sizes = [1, 256, 256], strides = [1, 1, 1]} : vector<25x256x256xbf16> to vector<1x256x256xbf16>
    %squeeze3A_62 = vector.shape_cast %slice3A_61 : vector<1x256x256xbf16> to vector<256x256xbf16>
    %add3A_63 = arith.addf %squeeze3A_60, %squeeze3A_62 : vector<256x256xbf16>
    %mul3A_64 = arith.constant 5.000000e-01 : bf16
    %mul3A_65 = vector.broadcast %mul3A_64 : bf16 to vector<256x256xbf16>
    %mul3A_66 = arith.mulf %add3A_63, %mul3A_65 : vector<256x256xbf16>
    %broadcast_in_dim3A_67 = vector.shape_cast %mul3A_66 : vector<256x256xbf16> to vector<1x256x256xbf16>
    %slice3A_68 = vector.extract_strided_slice %reshape3A_8 {offsets = [6, 0, 0], sizes = [1, 256, 256], strides = [1, 1, 1]} : vector<25x256x256xbf16> to vector<1x256x256xbf16>
    %squeeze3A_69 = vector.shape_cast %slice3A_68 : vector<1x256x256xbf16> to vector<256x256xbf16>
    %slice3A_70 = vector.extract_strided_slice %reshape3A_8 {offsets = [22, 0, 0], sizes = [1, 256, 256], strides = [1, 1, 1]} : vector<25x256x256xbf16> to vector<1x256x256xbf16>
    %squeeze3A_71 = vector.shape_cast %slice3A_70 : vector<1x256x256xbf16> to vector<256x256xbf16>
    %add3A_72 = arith.addf %squeeze3A_69, %squeeze3A_71 : vector<256x256xbf16>
    %mul3A_73 = arith.constant 5.000000e-01 : bf16
    %mul3A_74 = vector.broadcast %mul3A_73 : bf16 to vector<256x256xbf16>
    %mul3A_75 = arith.mulf %add3A_72, %mul3A_74 : vector<256x256xbf16>
    %broadcast_in_dim3A_76 = vector.shape_cast %mul3A_75 : vector<256x256xbf16> to vector<1x256x256xbf16>
    %slice3A_77 = vector.extract_strided_slice %reshape3A_8 {offsets = [20, 0, 0], sizes = [1, 256, 256], strides = [1, 1, 1]} : vector<25x256x256xbf16> to vector<1x256x256xbf16>
    %squeeze3A_78 = vector.shape_cast %slice3A_77 : vector<1x256x256xbf16> to vector<256x256xbf16>
    %slice3A_79 = vector.extract_strided_slice %reshape3A_8 {offsets = [9, 0, 0], sizes = [1, 256, 256], strides = [1, 1, 1]} : vector<25x256x256xbf16> to vector<1x256x256xbf16>
    %squeeze3A_80 = vector.shape_cast %slice3A_79 : vector<1x256x256xbf16> to vector<256x256xbf16>
    %add3A_81 = arith.addf %squeeze3A_78, %squeeze3A_80 : vector<256x256xbf16>
    %mul3A_82 = arith.constant 5.000000e-01 : bf16
    %mul3A_83 = vector.broadcast %mul3A_82 : bf16 to vector<256x256xbf16>
    %mul3A_84 = arith.mulf %add3A_81, %mul3A_83 : vector<256x256xbf16>
    %broadcast_in_dim3A_85 = vector.shape_cast %mul3A_84 : vector<256x256xbf16> to vector<1x256x256xbf16>
    %slice3A_86 = vector.extract_strided_slice %reshape3A_8 {offsets = [8, 0, 0], sizes = [1, 256, 256], strides = [1, 1, 1]} : vector<25x256x256xbf16> to vector<1x256x256xbf16>
    %squeeze3A_87 = vector.shape_cast %slice3A_86 : vector<1x256x256xbf16> to vector<256x256xbf16>
    %slice3A_88 = vector.extract_strided_slice %reshape3A_8 {offsets = [10, 0, 0], sizes = [1, 256, 256], strides = [1, 1, 1]} : vector<25x256x256xbf16> to vector<1x256x256xbf16>
    %squeeze3A_89 = vector.shape_cast %slice3A_88 : vector<1x256x256xbf16> to vector<256x256xbf16>
    %add3A_90 = arith.addf %squeeze3A_87, %squeeze3A_89 : vector<256x256xbf16>
    %mul3A_91 = arith.constant 5.000000e-01 : bf16
    %mul3A_92 = vector.broadcast %mul3A_91 : bf16 to vector<256x256xbf16>
    %mul3A_93 = arith.mulf %add3A_90, %mul3A_92 : vector<256x256xbf16>
    %broadcast_in_dim3A_94 = vector.shape_cast %mul3A_93 : vector<256x256xbf16> to vector<1x256x256xbf16>
    %slice3A_95 = vector.extract_strided_slice %reshape3A_8 {offsets = [9, 0, 0], sizes = [1, 256, 256], strides = [1, 1, 1]} : vector<25x256x256xbf16> to vector<1x256x256xbf16>
    %squeeze3A_96 = vector.shape_cast %slice3A_95 : vector<1x256x256xbf16> to vector<256x256xbf16>
    %slice3A_97 = vector.extract_strided_slice %reshape3A_8 {offsets = [11, 0, 0], sizes = [1, 256, 256], strides = [1, 1, 1]} : vector<25x256x256xbf16> to vector<1x256x256xbf16>
    %squeeze3A_98 = vector.shape_cast %slice3A_97 : vector<1x256x256xbf16> to vector<256x256xbf16>
    %add3A_99 = arith.addf %squeeze3A_96, %squeeze3A_98 : vector<256x256xbf16>
    %mul3A_100 = arith.constant 5.000000e-01 : bf16
    %mul3A_101 = vector.broadcast %mul3A_100 : bf16 to vector<256x256xbf16>
    %mul3A_102 = arith.mulf %add3A_99, %mul3A_101 : vector<256x256xbf16>
    %broadcast_in_dim3A_103 = vector.shape_cast %mul3A_102 : vector<256x256xbf16> to vector<1x256x256xbf16>
    %slice3A_104 = vector.extract_strided_slice %reshape3A_8 {offsets = [10, 0, 0], sizes = [1, 256, 256], strides = [1, 1, 1]} : vector<25x256x256xbf16> to vector<1x256x256xbf16>
    %squeeze3A_105 = vector.shape_cast %slice3A_104 : vector<1x256x256xbf16> to vector<256x256xbf16>
    %slice3A_106 = vector.extract_strided_slice %reshape3A_8 {offsets = [24, 0, 0], sizes = [1, 256, 256], strides = [1, 1, 1]} : vector<25x256x256xbf16> to vector<1x256x256xbf16>
    %squeeze3A_107 = vector.shape_cast %slice3A_106 : vector<1x256x256xbf16> to vector<256x256xbf16>
    %add3A_108 = arith.addf %squeeze3A_105, %squeeze3A_107 : vector<256x256xbf16>
    %mul3A_109 = arith.constant 5.000000e-01 : bf16
    %mul3A_110 = vector.broadcast %mul3A_109 : bf16 to vector<256x256xbf16>
    %mul3A_111 = arith.mulf %add3A_108, %mul3A_110 : vector<256x256xbf16>
    %broadcast_in_dim3A_112 = vector.shape_cast %mul3A_111 : vector<256x256xbf16> to vector<1x256x256xbf16>
    %slice3A_113 = vector.extract_strided_slice %reshape3A_8 {offsets = [0, 0, 0], sizes = [1, 256, 256], strides = [1, 1, 1]} : vector<25x256x256xbf16> to vector<1x256x256xbf16>
    %squeeze3A_114 = vector.shape_cast %slice3A_113 : vector<1x256x256xbf16> to vector<256x256xbf16>
    %slice3A_115 = vector.extract_strided_slice %reshape3A_8 {offsets = [13, 0, 0], sizes = [1, 256, 256], strides = [1, 1, 1]} : vector<25x256x256xbf16> to vector<1x256x256xbf16>
    %squeeze3A_116 = vector.shape_cast %slice3A_115 : vector<1x256x256xbf16> to vector<256x256xbf16>
    %add3A_117 = arith.addf %squeeze3A_114, %squeeze3A_116 : vector<256x256xbf16>
    %mul3A_118 = arith.constant 5.000000e-01 : bf16
    %mul3A_119 = vector.broadcast %mul3A_118 : bf16 to vector<256x256xbf16>
    %mul3A_120 = arith.mulf %add3A_117, %mul3A_119 : vector<256x256xbf16>
    %broadcast_in_dim3A_121 = vector.shape_cast %mul3A_120 : vector<256x256xbf16> to vector<1x256x256xbf16>
    %slice3A_122 = vector.extract_strided_slice %reshape3A_8 {offsets = [12, 0, 0], sizes = [1, 256, 256], strides = [1, 1, 1]} : vector<25x256x256xbf16> to vector<1x256x256xbf16>
    %squeeze3A_123 = vector.shape_cast %slice3A_122 : vector<1x256x256xbf16> to vector<256x256xbf16>
    %slice3A_124 = vector.extract_strided_slice %reshape3A_8 {offsets = [14, 0, 0], sizes = [1, 256, 256], strides = [1, 1, 1]} : vector<25x256x256xbf16> to vector<1x256x256xbf16>
    %squeeze3A_125 = vector.shape_cast %slice3A_124 : vector<1x256x256xbf16> to vector<256x256xbf16>
    %add3A_126 = arith.addf %squeeze3A_123, %squeeze3A_125 : vector<256x256xbf16>
    %mul3A_127 = arith.constant 5.000000e-01 : bf16
    %mul3A_128 = vector.broadcast %mul3A_127 : bf16 to vector<256x256xbf16>
    %mul3A_129 = arith.mulf %add3A_126, %mul3A_128 : vector<256x256xbf16>
    %broadcast_in_dim3A_130 = vector.shape_cast %mul3A_129 : vector<256x256xbf16> to vector<1x256x256xbf16>
    %slice3A_131 = vector.extract_strided_slice %reshape3A_8 {offsets = [13, 0, 0], sizes = [1, 256, 256], strides = [1, 1, 1]} : vector<25x256x256xbf16> to vector<1x256x256xbf16>
    %squeeze3A_132 = vector.shape_cast %slice3A_131 : vector<1x256x256xbf16> to vector<256x256xbf16>
    %slice3A_133 = vector.extract_strided_slice %reshape3A_8 {offsets = [15, 0, 0], sizes = [1, 256, 256], strides = [1, 1, 1]} : vector<25x256x256xbf16> to vector<1x256x256xbf16>
    %squeeze3A_134 = vector.shape_cast %slice3A_133 : vector<1x256x256xbf16> to vector<256x256xbf16>
    %add3A_135 = arith.addf %squeeze3A_132, %squeeze3A_134 : vector<256x256xbf16>
    %mul3A_136 = arith.constant 5.000000e-01 : bf16
    %mul3A_137 = vector.broadcast %mul3A_136 : bf16 to vector<256x256xbf16>
    %mul3A_138 = arith.mulf %add3A_135, %mul3A_137 : vector<256x256xbf16>
    %broadcast_in_dim3A_139 = vector.shape_cast %mul3A_138 : vector<256x256xbf16> to vector<1x256x256xbf16>
    %slice3A_140 = vector.extract_strided_slice %reshape3A_8 {offsets = [14, 0, 0], sizes = [1, 256, 256], strides = [1, 1, 1]} : vector<25x256x256xbf16> to vector<1x256x256xbf16>
    %squeeze3A_141 = vector.shape_cast %slice3A_140 : vector<1x256x256xbf16> to vector<256x256xbf16>
    %mul3A_142 = arith.constant 1.000000e+00 : bf16
    %mul3A_143 = vector.broadcast %mul3A_142 : bf16 to vector<256x256xbf16>
    %mul3A_144 = arith.mulf %squeeze3A_141, %mul3A_143 : vector<256x256xbf16>
    %broadcast_in_dim3A_145 = vector.shape_cast %mul3A_144 : vector<256x256xbf16> to vector<1x256x256xbf16>
    %slice3A_146 = vector.extract_strided_slice %reshape3A_8 {offsets = [0, 0, 0], sizes = [1, 256, 256], strides = [1, 1, 1]} : vector<25x256x256xbf16> to vector<1x256x256xbf16>
    %squeeze3A_147 = vector.shape_cast %slice3A_146 : vector<1x256x256xbf16> to vector<256x256xbf16>
    %slice3A_148 = vector.extract_strided_slice %reshape3A_8 {offsets = [17, 0, 0], sizes = [1, 256, 256], strides = [1, 1, 1]} : vector<25x256x256xbf16> to vector<1x256x256xbf16>
    %squeeze3A_149 = vector.shape_cast %slice3A_148 : vector<1x256x256xbf16> to vector<256x256xbf16>
    %add3A_150 = arith.addf %squeeze3A_147, %squeeze3A_149 : vector<256x256xbf16>
    %mul3A_151 = arith.constant 5.000000e-01 : bf16
    %mul3A_152 = vector.broadcast %mul3A_151 : bf16 to vector<256x256xbf16>
    %mul3A_153 = arith.mulf %add3A_150, %mul3A_152 : vector<256x256xbf16>
    %broadcast_in_dim3A_154 = vector.shape_cast %mul3A_153 : vector<256x256xbf16> to vector<1x256x256xbf16>
    %slice3A_155 = vector.extract_strided_slice %reshape3A_8 {offsets = [16, 0, 0], sizes = [1, 256, 256], strides = [1, 1, 1]} : vector<25x256x256xbf16> to vector<1x256x256xbf16>
    %squeeze3A_156 = vector.shape_cast %slice3A_155 : vector<1x256x256xbf16> to vector<256x256xbf16>
    %slice3A_157 = vector.extract_strided_slice %reshape3A_8 {offsets = [18, 0, 0], sizes = [1, 256, 256], strides = [1, 1, 1]} : vector<25x256x256xbf16> to vector<1x256x256xbf16>
    %squeeze3A_158 = vector.shape_cast %slice3A_157 : vector<1x256x256xbf16> to vector<256x256xbf16>
    %add3A_159 = arith.addf %squeeze3A_156, %squeeze3A_158 : vector<256x256xbf16>
    %mul3A_160 = arith.constant 5.000000e-01 : bf16
    %mul3A_161 = vector.broadcast %mul3A_160 : bf16 to vector<256x256xbf16>
    %mul3A_162 = arith.mulf %add3A_159, %mul3A_161 : vector<256x256xbf16>
    %broadcast_in_dim3A_163 = vector.shape_cast %mul3A_162 : vector<256x256xbf16> to vector<1x256x256xbf16>
    %slice3A_164 = vector.extract_strided_slice %reshape3A_8 {offsets = [17, 0, 0], sizes = [1, 256, 256], strides = [1, 1, 1]} : vector<25x256x256xbf16> to vector<1x256x256xbf16>
    %squeeze3A_165 = vector.shape_cast %slice3A_164 : vector<1x256x256xbf16> to vector<256x256xbf16>
    %slice3A_166 = vector.extract_strided_slice %reshape3A_8 {offsets = [19, 0, 0], sizes = [1, 256, 256], strides = [1, 1, 1]} : vector<25x256x256xbf16> to vector<1x256x256xbf16>
    %squeeze3A_167 = vector.shape_cast %slice3A_166 : vector<1x256x256xbf16> to vector<256x256xbf16>
    %add3A_168 = arith.addf %squeeze3A_165, %squeeze3A_167 : vector<256x256xbf16>
    %mul3A_169 = arith.constant 5.000000e-01 : bf16
    %mul3A_170 = vector.broadcast %mul3A_169 : bf16 to vector<256x256xbf16>
    %mul3A_171 = arith.mulf %add3A_168, %mul3A_170 : vector<256x256xbf16>
    %broadcast_in_dim3A_172 = vector.shape_cast %mul3A_171 : vector<256x256xbf16> to vector<1x256x256xbf16>
    %slice3A_173 = vector.extract_strided_slice %reshape3A_8 {offsets = [18, 0, 0], sizes = [1, 256, 256], strides = [1, 1, 1]} : vector<25x256x256xbf16> to vector<1x256x256xbf16>
    %squeeze3A_174 = vector.shape_cast %slice3A_173 : vector<1x256x256xbf16> to vector<256x256xbf16>
    %mul3A_175 = arith.constant 1.000000e+00 : bf16
    %mul3A_176 = vector.broadcast %mul3A_175 : bf16 to vector<256x256xbf16>
    %mul3A_177 = arith.mulf %squeeze3A_174, %mul3A_176 : vector<256x256xbf16>
    %broadcast_in_dim3A_178 = vector.shape_cast %mul3A_177 : vector<256x256xbf16> to vector<1x256x256xbf16>
    %slice3A_179 = vector.extract_strided_slice %reshape3A_8 {offsets = [1, 0, 0], sizes = [1, 256, 256], strides = [1, 1, 1]} : vector<25x256x256xbf16> to vector<1x256x256xbf16>
    %squeeze3A_180 = vector.shape_cast %slice3A_179 : vector<1x256x256xbf16> to vector<256x256xbf16>
    %slice3A_181 = vector.extract_strided_slice %reshape3A_8 {offsets = [2, 0, 0], sizes = [1, 256, 256], strides = [1, 1, 1]} : vector<25x256x256xbf16> to vector<1x256x256xbf16>
    %squeeze3A_182 = vector.shape_cast %slice3A_181 : vector<1x256x256xbf16> to vector<256x256xbf16>
    %add3A_183 = arith.addf %squeeze3A_180, %squeeze3A_182 : vector<256x256xbf16>
    %slice3A_184 = vector.extract_strided_slice %reshape3A_8 {offsets = [4, 0, 0], sizes = [1, 256, 256], strides = [1, 1, 1]} : vector<25x256x256xbf16> to vector<1x256x256xbf16>
    %squeeze3A_185 = vector.shape_cast %slice3A_184 : vector<1x256x256xbf16> to vector<256x256xbf16>
    %add3A_186 = arith.addf %add3A_183, %squeeze3A_185 : vector<256x256xbf16>
    %slice3A_187 = vector.extract_strided_slice %reshape3A_8 {offsets = [8, 0, 0], sizes = [1, 256, 256], strides = [1, 1, 1]} : vector<25x256x256xbf16> to vector<1x256x256xbf16>
    %squeeze3A_188 = vector.shape_cast %slice3A_187 : vector<1x256x256xbf16> to vector<256x256xbf16>
    %add3A_189 = arith.addf %add3A_186, %squeeze3A_188 : vector<256x256xbf16>
    %mul3A_190 = arith.constant 2.500000e-01 : bf16
    %mul3A_191 = vector.broadcast %mul3A_190 : bf16 to vector<256x256xbf16>
    %mul3A_192 = arith.mulf %add3A_189, %mul3A_191 : vector<256x256xbf16>
    %broadcast_in_dim3A_193 = vector.shape_cast %mul3A_192 : vector<256x256xbf16> to vector<1x256x256xbf16>
    %slice3A_194 = vector.extract_strided_slice %reshape3A_8 {offsets = [22, 0, 0], sizes = [1, 256, 256], strides = [1, 1, 1]} : vector<25x256x256xbf16> to vector<1x256x256xbf16>
    %squeeze3A_195 = vector.shape_cast %slice3A_194 : vector<1x256x256xbf16> to vector<256x256xbf16>
    %mul3A_196 = arith.constant 1.000000e+00 : bf16
    %mul3A_197 = vector.broadcast %mul3A_196 : bf16 to vector<256x256xbf16>
    %mul3A_198 = arith.mulf %squeeze3A_195, %mul3A_197 : vector<256x256xbf16>
    %broadcast_in_dim3A_199 = vector.shape_cast %mul3A_198 : vector<256x256xbf16> to vector<1x256x256xbf16>
    %slice3A_200 = vector.extract_strided_slice %reshape3A_8 {offsets = [21, 0, 0], sizes = [1, 256, 256], strides = [1, 1, 1]} : vector<25x256x256xbf16> to vector<1x256x256xbf16>
    %squeeze3A_201 = vector.shape_cast %slice3A_200 : vector<1x256x256xbf16> to vector<256x256xbf16>
    %slice3A_202 = vector.extract_strided_slice %reshape3A_8 {offsets = [7, 0, 0], sizes = [1, 256, 256], strides = [1, 1, 1]} : vector<25x256x256xbf16> to vector<1x256x256xbf16>
    %squeeze3A_203 = vector.shape_cast %slice3A_202 : vector<1x256x256xbf16> to vector<256x256xbf16>
    %add3A_204 = arith.addf %squeeze3A_201, %squeeze3A_203 : vector<256x256xbf16>
    %mul3A_205 = arith.constant 5.000000e-01 : bf16
    %mul3A_206 = vector.broadcast %mul3A_205 : bf16 to vector<256x256xbf16>
    %mul3A_207 = arith.mulf %add3A_204, %mul3A_206 : vector<256x256xbf16>
    %broadcast_in_dim3A_208 = vector.shape_cast %mul3A_207 : vector<256x256xbf16> to vector<1x256x256xbf16>
    %slice3A_209 = vector.extract_strided_slice %reshape3A_8 {offsets = [24, 0, 0], sizes = [1, 256, 256], strides = [1, 1, 1]} : vector<25x256x256xbf16> to vector<1x256x256xbf16>
    %squeeze3A_210 = vector.shape_cast %slice3A_209 : vector<1x256x256xbf16> to vector<256x256xbf16>
    %mul3A_211 = arith.constant 1.000000e+00 : bf16
    %mul3A_212 = vector.broadcast %mul3A_211 : bf16 to vector<256x256xbf16>
    %mul3A_213 = arith.mulf %squeeze3A_210, %mul3A_212 : vector<256x256xbf16>
    %broadcast_in_dim3A_214 = vector.shape_cast %mul3A_213 : vector<256x256xbf16> to vector<1x256x256xbf16>
    %slice3A_215 = vector.extract_strided_slice %reshape3A_8 {offsets = [23, 0, 0], sizes = [1, 256, 256], strides = [1, 1, 1]} : vector<25x256x256xbf16> to vector<1x256x256xbf16>
    %squeeze3A_216 = vector.shape_cast %slice3A_215 : vector<1x256x256xbf16> to vector<256x256xbf16>
    %slice3A_217 = vector.extract_strided_slice %reshape3A_8 {offsets = [11, 0, 0], sizes = [1, 256, 256], strides = [1, 1, 1]} : vector<25x256x256xbf16> to vector<1x256x256xbf16>
    %squeeze3A_218 = vector.shape_cast %slice3A_217 : vector<1x256x256xbf16> to vector<256x256xbf16>
    %add3A_219 = arith.addf %squeeze3A_216, %squeeze3A_218 : vector<256x256xbf16>
    %mul3A_220 = arith.constant 5.000000e-01 : bf16
    %mul3A_221 = vector.broadcast %mul3A_220 : bf16 to vector<256x256xbf16>
    %mul3A_222 = arith.mulf %add3A_219, %mul3A_221 : vector<256x256xbf16>
    %broadcast_in_dim3A_223 = vector.shape_cast %mul3A_222 : vector<256x256xbf16> to vector<1x256x256xbf16>
    %concatenate3A = tpu.concatenate %broadcast_in_dim3A, %broadcast_in_dim3A_25, %broadcast_in_dim3A_34, %broadcast_in_dim3A_40, %broadcast_in_dim3A_49, %broadcast_in_dim3A_58, %broadcast_in_dim3A_67, %broadcast_in_dim3A_76, %broadcast_in_dim3A_85, %broadcast_in_dim3A_94, %broadcast_in_dim3A_103, %broadcast_in_dim3A_112, %broadcast_in_dim3A_121, %broadcast_in_dim3A_130, %broadcast_in_dim3A_139, %broadcast_in_dim3A_145, %broadcast_in_dim3A_154, %broadcast_in_dim3A_163, %broadcast_in_dim3A_172, %broadcast_in_dim3A_178, %broadcast_in_dim3A_193, %broadcast_in_dim3A_199, %broadcast_in_dim3A_208, %broadcast_in_dim3A_214, %broadcast_in_dim3A_223 in 0 : vector<1x256x256xbf16>, vector<1x256x256xbf16>, vector<1x256x256xbf16>, vector<1x256x256xbf16>, vector<1x256x256xbf16>, vector<1x256x256xbf16>, vector<1x256x256xbf16>, vector<1x256x256xbf16>, vector<1x256x256xbf16>, vector<1x256x256xbf16>, vector<1x256x256xbf16>, vector<1x256x256xbf16>, vector<1x256x256xbf16>, vector<1x256x256xbf16>, vector<1x256x256xbf16>, vector<1x256x256xbf16>, vector<1x256x256xbf16>, vector<1x256x256xbf16>, vector<1x256x256xbf16>, vector<1x256x256xbf16>, vector<1x256x256xbf16>, vector<1x256x256xbf16>, vector<1x256x256xbf16>, vector<1x256x256xbf16>, vector<1x256x256xbf16> -> vector<25x256x256xbf16>
    %reshape3A_224 = vector.shape_cast %concatenate3A : vector<25x256x256xbf16> to vector<6400x256xbf16>
    %slice3A_225 = vector.extract_strided_slice %convert_element_type3A_7 {offsets = [0, 256], sizes = [6400, 256], strides = [1, 1]} : vector<6400x768xbf16> to vector<6400x256xbf16>
    %add3A_226 = arith.addf %reshape3A_224, %slice3A_225 : vector<6400x256xbf16>
    %get3A_227 = arith.constant 0 : index
    %get3A_228 = arith.constant 0 : index
    %get3A_229 = vector.load %arg3[%get3A_227, %get3A_228] : memref<1x512xbf16, #tpu.memory_space<vmem>>, vector<1x256xbf16>
    %add3A_230 = vector.broadcast %get3A_229 : vector<1x256xbf16> to vector<6400x256xbf16>
    %add3A_231 = arith.addf %add3A_226, %add3A_230 : vector<6400x256xbf16>
    %max3A = arith.constant 0.000000e+00 : bf16
    %max3A_232 = vector.broadcast %max3A : bf16 to vector<6400x256xbf16>
    %max3A_233 = arith.maximumf %add3A_231, %max3A_232 : vector<6400x256xbf16>
    %slice3A_234 = vector.extract_strided_slice %convert_element_type3A_7 {offsets = [0, 512], sizes = [6400, 256], strides = [1, 1]} : vector<6400x768xbf16> to vector<6400x256xbf16>
    %add3A_235 = arith.addf %max3A_233, %slice3A_234 : vector<6400x256xbf16>
    %get3A_236 = arith.constant 0 : index
    %get3A_237 = arith.constant 256 : index
    %get3A_238 = vector.load %arg3[%get3A_236, %get3A_237] : memref<1x512xbf16, #tpu.memory_space<vmem>>, vector<1x256xbf16>
    %add3A_239 = vector.broadcast %get3A_238 : vector<1x256xbf16> to vector<6400x256xbf16>
    %add3A_240 = arith.addf %add3A_235, %add3A_239 : vector<6400x256xbf16>
    %get3A_241 = arith.constant 0 : index
    %get3A_242 = arith.constant 0 : index
    %get3A_243 = vector.load %arg4[%get3A_241, %get3A_242] : memref<256x512xbf16, #tpu.memory_space<vmem>>, vector<256x512xbf16>
    %dot_general3A_244 = arith.constant dense<0.000000e+00> : vector<6400x512xf32>
    %dot_general3A_245 = tpu.matmul %add3A_240, %get3A_243, %dot_general3A_244 {dimension_numbers = #tpu.dot_dimension_numbers<[1], [0], [0], [1], [0, 0, 1, 1], [], []>, transpose_lhs_hint = false} : vector<6400x256xbf16>, vector<256x512xbf16>, vector<6400x512xf32> -> vector<6400x512xf32>
    %convert_element_type3A_246 = arith.truncf %dot_general3A_245 : vector<6400x512xf32> to vector<6400x512xbf16>
    %slice3A_247 = vector.extract_strided_slice %convert_element_type3A_246 {offsets = [0, 0], sizes = [6400, 256], strides = [1, 1]} : vector<6400x512xbf16> to vector<6400x256xbf16>
    %reshape3A_248 = vector.shape_cast %slice3A_247 : vector<6400x256xbf16> to vector<25x256x256xbf16>
    %slice3A_249 = vector.extract_strided_slice %reshape3A_248 {offsets = [1, 0, 0], sizes = [1, 256, 256], strides = [1, 1, 1]} : vector<25x256x256xbf16> to vector<1x256x256xbf16>
    %squeeze3A_250 = vector.shape_cast %slice3A_249 : vector<1x256x256xbf16> to vector<256x256xbf16>
    %slice3A_251 = vector.extract_strided_slice %reshape3A_248 {offsets = [12, 0, 0], sizes = [1, 256, 256], strides = [1, 1, 1]} : vector<25x256x256xbf16> to vector<1x256x256xbf16>
    %squeeze3A_252 = vector.shape_cast %slice3A_251 : vector<1x256x256xbf16> to vector<256x256xbf16>
    %add3A_253 = arith.addf %squeeze3A_250, %squeeze3A_252 : vector<256x256xbf16>
    %slice3A_254 = vector.extract_strided_slice %reshape3A_248 {offsets = [16, 0, 0], sizes = [1, 256, 256], strides = [1, 1, 1]} : vector<25x256x256xbf16> to vector<1x256x256xbf16>
    %squeeze3A_255 = vector.shape_cast %slice3A_254 : vector<1x256x256xbf16> to vector<256x256xbf16>
    %add3A_256 = arith.addf %add3A_253, %squeeze3A_255 : vector<256x256xbf16>
    %mul3A_257 = arith.constant 3.339840e-01 : bf16
    %mul3A_258 = vector.broadcast %mul3A_257 : bf16 to vector<256x256xbf16>
    %mul3A_259 = arith.mulf %add3A_256, %mul3A_258 : vector<256x256xbf16>
    %broadcast_in_dim3A_260 = vector.shape_cast %mul3A_259 : vector<256x256xbf16> to vector<1x256x256xbf16>
    %slice3A_261 = vector.extract_strided_slice %reshape3A_248 {offsets = [0, 0, 0], sizes = [1, 256, 256], strides = [1, 1, 1]} : vector<25x256x256xbf16> to vector<1x256x256xbf16>
    %squeeze3A_262 = vector.shape_cast %slice3A_261 : vector<1x256x256xbf16> to vector<256x256xbf16>
    %slice3A_263 = vector.extract_strided_slice %reshape3A_248 {offsets = [20, 0, 0], sizes = [1, 256, 256], strides = [1, 1, 1]} : vector<25x256x256xbf16> to vector<1x256x256xbf16>
    %squeeze3A_264 = vector.shape_cast %slice3A_263 : vector<1x256x256xbf16> to vector<256x256xbf16>
    %add3A_265 = arith.addf %squeeze3A_262, %squeeze3A_264 : vector<256x256xbf16>
    %mul3A_266 = arith.constant 5.000000e-01 : bf16
    %mul3A_267 = vector.broadcast %mul3A_266 : bf16 to vector<256x256xbf16>
    %mul3A_268 = arith.mulf %add3A_265, %mul3A_267 : vector<256x256xbf16>
    %broadcast_in_dim3A_269 = vector.shape_cast %mul3A_268 : vector<256x256xbf16> to vector<1x256x256xbf16>
    %slice3A_270 = vector.extract_strided_slice %reshape3A_248 {offsets = [20, 0, 0], sizes = [1, 256, 256], strides = [1, 1, 1]} : vector<25x256x256xbf16> to vector<1x256x256xbf16>
    %squeeze3A_271 = vector.shape_cast %slice3A_270 : vector<1x256x256xbf16> to vector<256x256xbf16>
    %slice3A_272 = vector.extract_strided_slice %reshape3A_248 {offsets = [3, 0, 0], sizes = [1, 256, 256], strides = [1, 1, 1]} : vector<25x256x256xbf16> to vector<1x256x256xbf16>
    %squeeze3A_273 = vector.shape_cast %slice3A_272 : vector<1x256x256xbf16> to vector<256x256xbf16>
    %add3A_274 = arith.addf %squeeze3A_271, %squeeze3A_273 : vector<256x256xbf16>
    %mul3A_275 = arith.constant 5.000000e-01 : bf16
    %mul3A_276 = vector.broadcast %mul3A_275 : bf16 to vector<256x256xbf16>
    %mul3A_277 = arith.mulf %add3A_274, %mul3A_276 : vector<256x256xbf16>
    %broadcast_in_dim3A_278 = vector.shape_cast %mul3A_277 : vector<256x256xbf16> to vector<1x256x256xbf16>
    %slice3A_279 = vector.extract_strided_slice %reshape3A_248 {offsets = [2, 0, 0], sizes = [1, 256, 256], strides = [1, 1, 1]} : vector<25x256x256xbf16> to vector<1x256x256xbf16>
    %squeeze3A_280 = vector.shape_cast %slice3A_279 : vector<1x256x256xbf16> to vector<256x256xbf16>
    %mul3A_281 = arith.constant 1.000000e+00 : bf16
    %mul3A_282 = vector.broadcast %mul3A_281 : bf16 to vector<256x256xbf16>
    %mul3A_283 = arith.mulf %squeeze3A_280, %mul3A_282 : vector<256x256xbf16>
    %broadcast_in_dim3A_284 = vector.shape_cast %mul3A_283 : vector<256x256xbf16> to vector<1x256x256xbf16>
    %slice3A_285 = vector.extract_strided_slice %reshape3A_248 {offsets = [20, 0, 0], sizes = [1, 256, 256], strides = [1, 1, 1]} : vector<25x256x256xbf16> to vector<1x256x256xbf16>
    %squeeze3A_286 = vector.shape_cast %slice3A_285 : vector<1x256x256xbf16> to vector<256x256xbf16>
    %slice3A_287 = vector.extract_strided_slice %reshape3A_248 {offsets = [5, 0, 0], sizes = [1, 256, 256], strides = [1, 1, 1]} : vector<25x256x256xbf16> to vector<1x256x256xbf16>
    %squeeze3A_288 = vector.shape_cast %slice3A_287 : vector<1x256x256xbf16> to vector<256x256xbf16>
    %add3A_289 = arith.addf %squeeze3A_286, %squeeze3A_288 : vector<256x256xbf16>
    %mul3A_290 = arith.constant 5.000000e-01 : bf16
    %mul3A_291 = vector.broadcast %mul3A_290 : bf16 to vector<256x256xbf16>
    %mul3A_292 = arith.mulf %add3A_289, %mul3A_291 : vector<256x256xbf16>
    %broadcast_in_dim3A_293 = vector.shape_cast %mul3A_292 : vector<256x256xbf16> to vector<1x256x256xbf16>
    %slice3A_294 = vector.extract_strided_slice %reshape3A_248 {offsets = [4, 0, 0], sizes = [1, 256, 256], strides = [1, 1, 1]} : vector<25x256x256xbf16> to vector<1x256x256xbf16>
    %squeeze3A_295 = vector.shape_cast %slice3A_294 : vector<1x256x256xbf16> to vector<256x256xbf16>
    %slice3A_296 = vector.extract_strided_slice %reshape3A_248 {offsets = [6, 0, 0], sizes = [1, 256, 256], strides = [1, 1, 1]} : vector<25x256x256xbf16> to vector<1x256x256xbf16>
    %squeeze3A_297 = vector.shape_cast %slice3A_296 : vector<1x256x256xbf16> to vector<256x256xbf16>
    %add3A_298 = arith.addf %squeeze3A_295, %squeeze3A_297 : vector<256x256xbf16>
    %mul3A_299 = arith.constant 5.000000e-01 : bf16
    %mul3A_300 = vector.broadcast %mul3A_299 : bf16 to vector<256x256xbf16>
    %mul3A_301 = arith.mulf %add3A_298, %mul3A_300 : vector<256x256xbf16>
    %broadcast_in_dim3A_302 = vector.shape_cast %mul3A_301 : vector<256x256xbf16> to vector<1x256x256xbf16>
    %slice3A_303 = vector.extract_strided_slice %reshape3A_248 {offsets = [5, 0, 0], sizes = [1, 256, 256], strides = [1, 1, 1]} : vector<25x256x256xbf16> to vector<1x256x256xbf16>
    %squeeze3A_304 = vector.shape_cast %slice3A_303 : vector<1x256x256xbf16> to vector<256x256xbf16>
    %slice3A_305 = vector.extract_strided_slice %reshape3A_248 {offsets = [7, 0, 0], sizes = [1, 256, 256], strides = [1, 1, 1]} : vector<25x256x256xbf16> to vector<1x256x256xbf16>
    %squeeze3A_306 = vector.shape_cast %slice3A_305 : vector<1x256x256xbf16> to vector<256x256xbf16>
    %add3A_307 = arith.addf %squeeze3A_304, %squeeze3A_306 : vector<256x256xbf16>
    %mul3A_308 = arith.constant 5.000000e-01 : bf16
    %mul3A_309 = vector.broadcast %mul3A_308 : bf16 to vector<256x256xbf16>
    %mul3A_310 = arith.mulf %add3A_307, %mul3A_309 : vector<256x256xbf16>
    %broadcast_in_dim3A_311 = vector.shape_cast %mul3A_310 : vector<256x256xbf16> to vector<1x256x256xbf16>
    %slice3A_312 = vector.extract_strided_slice %reshape3A_248 {offsets = [6, 0, 0], sizes = [1, 256, 256], strides = [1, 1, 1]} : vector<25x256x256xbf16> to vector<1x256x256xbf16>
    %squeeze3A_313 = vector.shape_cast %slice3A_312 : vector<1x256x256xbf16> to vector<256x256xbf16>
    %slice3A_314 = vector.extract_strided_slice %reshape3A_248 {offsets = [22, 0, 0], sizes = [1, 256, 256], strides = [1, 1, 1]} : vector<25x256x256xbf16> to vector<1x256x256xbf16>
    %squeeze3A_315 = vector.shape_cast %slice3A_314 : vector<1x256x256xbf16> to vector<256x256xbf16>
    %add3A_316 = arith.addf %squeeze3A_313, %squeeze3A_315 : vector<256x256xbf16>
    %mul3A_317 = arith.constant 5.000000e-01 : bf16
    %mul3A_318 = vector.broadcast %mul3A_317 : bf16 to vector<256x256xbf16>
    %mul3A_319 = arith.mulf %add3A_316, %mul3A_318 : vector<256x256xbf16>
    %broadcast_in_dim3A_320 = vector.shape_cast %mul3A_319 : vector<256x256xbf16> to vector<1x256x256xbf16>
    %slice3A_321 = vector.extract_strided_slice %reshape3A_248 {offsets = [20, 0, 0], sizes = [1, 256, 256], strides = [1, 1, 1]} : vector<25x256x256xbf16> to vector<1x256x256xbf16>
    %squeeze3A_322 = vector.shape_cast %slice3A_321 : vector<1x256x256xbf16> to vector<256x256xbf16>
    %slice3A_323 = vector.extract_strided_slice %reshape3A_248 {offsets = [9, 0, 0], sizes = [1, 256, 256], strides = [1, 1, 1]} : vector<25x256x256xbf16> to vector<1x256x256xbf16>
    %squeeze3A_324 = vector.shape_cast %slice3A_323 : vector<1x256x256xbf16> to vector<256x256xbf16>
    %add3A_325 = arith.addf %squeeze3A_322, %squeeze3A_324 : vector<256x256xbf16>
    %mul3A_326 = arith.constant 5.000000e-01 : bf16
    %mul3A_327 = vector.broadcast %mul3A_326 : bf16 to vector<256x256xbf16>
    %mul3A_328 = arith.mulf %add3A_325, %mul3A_327 : vector<256x256xbf16>
    %broadcast_in_dim3A_329 = vector.shape_cast %mul3A_328 : vector<256x256xbf16> to vector<1x256x256xbf16>
    %slice3A_330 = vector.extract_strided_slice %reshape3A_248 {offsets = [8, 0, 0], sizes = [1, 256, 256], strides = [1, 1, 1]} : vector<25x256x256xbf16> to vector<1x256x256xbf16>
    %squeeze3A_331 = vector.shape_cast %slice3A_330 : vector<1x256x256xbf16> to vector<256x256xbf16>
    %slice3A_332 = vector.extract_strided_slice %reshape3A_248 {offsets = [10, 0, 0], sizes = [1, 256, 256], strides = [1, 1, 1]} : vector<25x256x256xbf16> to vector<1x256x256xbf16>
    %squeeze3A_333 = vector.shape_cast %slice3A_332 : vector<1x256x256xbf16> to vector<256x256xbf16>
    %add3A_334 = arith.addf %squeeze3A_331, %squeeze3A_333 : vector<256x256xbf16>
    %mul3A_335 = arith.constant 5.000000e-01 : bf16
    %mul3A_336 = vector.broadcast %mul3A_335 : bf16 to vector<256x256xbf16>
    %mul3A_337 = arith.mulf %add3A_334, %mul3A_336 : vector<256x256xbf16>
    %broadcast_in_dim3A_338 = vector.shape_cast %mul3A_337 : vector<256x256xbf16> to vector<1x256x256xbf16>
    %slice3A_339 = vector.extract_strided_slice %reshape3A_248 {offsets = [9, 0, 0], sizes = [1, 256, 256], strides = [1, 1, 1]} : vector<25x256x256xbf16> to vector<1x256x256xbf16>
    %squeeze3A_340 = vector.shape_cast %slice3A_339 : vector<1x256x256xbf16> to vector<256x256xbf16>
    %slice3A_341 = vector.extract_strided_slice %reshape3A_248 {offsets = [11, 0, 0], sizes = [1, 256, 256], strides = [1, 1, 1]} : vector<25x256x256xbf16> to vector<1x256x256xbf16>
    %squeeze3A_342 = vector.shape_cast %slice3A_341 : vector<1x256x256xbf16> to vector<256x256xbf16>
    %add3A_343 = arith.addf %squeeze3A_340, %squeeze3A_342 : vector<256x256xbf16>
    %mul3A_344 = arith.constant 5.000000e-01 : bf16
    %mul3A_345 = vector.broadcast %mul3A_344 : bf16 to vector<256x256xbf16>
    %mul3A_346 = arith.mulf %add3A_343, %mul3A_345 : vector<256x256xbf16>
    %broadcast_in_dim3A_347 = vector.shape_cast %mul3A_346 : vector<256x256xbf16> to vector<1x256x256xbf16>
    %slice3A_348 = vector.extract_strided_slice %reshape3A_248 {offsets = [10, 0, 0], sizes = [1, 256, 256], strides = [1, 1, 1]} : vector<25x256x256xbf16> to vector<1x256x256xbf16>
    %squeeze3A_349 = vector.shape_cast %slice3A_348 : vector<1x256x256xbf16> to vector<256x256xbf16>
    %slice3A_350 = vector.extract_strided_slice %reshape3A_248 {offsets = [24, 0, 0], sizes = [1, 256, 256], strides = [1, 1, 1]} : vector<25x256x256xbf16> to vector<1x256x256xbf16>
    %squeeze3A_351 = vector.shape_cast %slice3A_350 : vector<1x256x256xbf16> to vector<256x256xbf16>
    %add3A_352 = arith.addf %squeeze3A_349, %squeeze3A_351 : vector<256x256xbf16>
    %mul3A_353 = arith.constant 5.000000e-01 : bf16
    %mul3A_354 = vector.broadcast %mul3A_353 : bf16 to vector<256x256xbf16>
    %mul3A_355 = arith.mulf %add3A_352, %mul3A_354 : vector<256x256xbf16>
    %broadcast_in_dim3A_356 = vector.shape_cast %mul3A_355 : vector<256x256xbf16> to vector<1x256x256xbf16>
    %slice3A_357 = vector.extract_strided_slice %reshape3A_248 {offsets = [0, 0, 0], sizes = [1, 256, 256], strides = [1, 1, 1]} : vector<25x256x256xbf16> to vector<1x256x256xbf16>
    %squeeze3A_358 = vector.shape_cast %slice3A_357 : vector<1x256x256xbf16> to vector<256x256xbf16>
    %slice3A_359 = vector.extract_strided_slice %reshape3A_248 {offsets = [13, 0, 0], sizes = [1, 256, 256], strides = [1, 1, 1]} : vector<25x256x256xbf16> to vector<1x256x256xbf16>
    %squeeze3A_360 = vector.shape_cast %slice3A_359 : vector<1x256x256xbf16> to vector<256x256xbf16>
    %add3A_361 = arith.addf %squeeze3A_358, %squeeze3A_360 : vector<256x256xbf16>
    %mul3A_362 = arith.constant 5.000000e-01 : bf16
    %mul3A_363 = vector.broadcast %mul3A_362 : bf16 to vector<256x256xbf16>
    %mul3A_364 = arith.mulf %add3A_361, %mul3A_363 : vector<256x256xbf16>
    %broadcast_in_dim3A_365 = vector.shape_cast %mul3A_364 : vector<256x256xbf16> to vector<1x256x256xbf16>
    %slice3A_366 = vector.extract_strided_slice %reshape3A_248 {offsets = [12, 0, 0], sizes = [1, 256, 256], strides = [1, 1, 1]} : vector<25x256x256xbf16> to vector<1x256x256xbf16>
    %squeeze3A_367 = vector.shape_cast %slice3A_366 : vector<1x256x256xbf16> to vector<256x256xbf16>
    %slice3A_368 = vector.extract_strided_slice %reshape3A_248 {offsets = [14, 0, 0], sizes = [1, 256, 256], strides = [1, 1, 1]} : vector<25x256x256xbf16> to vector<1x256x256xbf16>
    %squeeze3A_369 = vector.shape_cast %slice3A_368 : vector<1x256x256xbf16> to vector<256x256xbf16>
    %add3A_370 = arith.addf %squeeze3A_367, %squeeze3A_369 : vector<256x256xbf16>
    %mul3A_371 = arith.constant 5.000000e-01 : bf16
    %mul3A_372 = vector.broadcast %mul3A_371 : bf16 to vector<256x256xbf16>
    %mul3A_373 = arith.mulf %add3A_370, %mul3A_372 : vector<256x256xbf16>
    %broadcast_in_dim3A_374 = vector.shape_cast %mul3A_373 : vector<256x256xbf16> to vector<1x256x256xbf16>
    %slice3A_375 = vector.extract_strided_slice %reshape3A_248 {offsets = [13, 0, 0], sizes = [1, 256, 256], strides = [1, 1, 1]} : vector<25x256x256xbf16> to vector<1x256x256xbf16>
    %squeeze3A_376 = vector.shape_cast %slice3A_375 : vector<1x256x256xbf16> to vector<256x256xbf16>
    %slice3A_377 = vector.extract_strided_slice %reshape3A_248 {offsets = [15, 0, 0], sizes = [1, 256, 256], strides = [1, 1, 1]} : vector<25x256x256xbf16> to vector<1x256x256xbf16>
    %squeeze3A_378 = vector.shape_cast %slice3A_377 : vector<1x256x256xbf16> to vector<256x256xbf16>
    %add3A_379 = arith.addf %squeeze3A_376, %squeeze3A_378 : vector<256x256xbf16>
    %mul3A_380 = arith.constant 5.000000e-01 : bf16
    %mul3A_381 = vector.broadcast %mul3A_380 : bf16 to vector<256x256xbf16>
    %mul3A_382 = arith.mulf %add3A_379, %mul3A_381 : vector<256x256xbf16>
    %broadcast_in_dim3A_383 = vector.shape_cast %mul3A_382 : vector<256x256xbf16> to vector<1x256x256xbf16>
    %slice3A_384 = vector.extract_strided_slice %reshape3A_248 {offsets = [14, 0, 0], sizes = [1, 256, 256], strides = [1, 1, 1]} : vector<25x256x256xbf16> to vector<1x256x256xbf16>
    %squeeze3A_385 = vector.shape_cast %slice3A_384 : vector<1x256x256xbf16> to vector<256x256xbf16>
    %mul3A_386 = arith.constant 1.000000e+00 : bf16
    %mul3A_387 = vector.broadcast %mul3A_386 : bf16 to vector<256x256xbf16>
    %mul3A_388 = arith.mulf %squeeze3A_385, %mul3A_387 : vector<256x256xbf16>
    %broadcast_in_dim3A_389 = vector.shape_cast %mul3A_388 : vector<256x256xbf16> to vector<1x256x256xbf16>
    %slice3A_390 = vector.extract_strided_slice %reshape3A_248 {offsets = [0, 0, 0], sizes = [1, 256, 256], strides = [1, 1, 1]} : vector<25x256x256xbf16> to vector<1x256x256xbf16>
    %squeeze3A_391 = vector.shape_cast %slice3A_390 : vector<1x256x256xbf16> to vector<256x256xbf16>
    %slice3A_392 = vector.extract_strided_slice %reshape3A_248 {offsets = [17, 0, 0], sizes = [1, 256, 256], strides = [1, 1, 1]} : vector<25x256x256xbf16> to vector<1x256x256xbf16>
    %squeeze3A_393 = vector.shape_cast %slice3A_392 : vector<1x256x256xbf16> to vector<256x256xbf16>
    %add3A_394 = arith.addf %squeeze3A_391, %squeeze3A_393 : vector<256x256xbf16>
    %mul3A_395 = arith.constant 5.000000e-01 : bf16
    %mul3A_396 = vector.broadcast %mul3A_395 : bf16 to vector<256x256xbf16>
    %mul3A_397 = arith.mulf %add3A_394, %mul3A_396 : vector<256x256xbf16>
    %broadcast_in_dim3A_398 = vector.shape_cast %mul3A_397 : vector<256x256xbf16> to vector<1x256x256xbf16>
    %slice3A_399 = vector.extract_strided_slice %reshape3A_248 {offsets = [16, 0, 0], sizes = [1, 256, 256], strides = [1, 1, 1]} : vector<25x256x256xbf16> to vector<1x256x256xbf16>
    %squeeze3A_400 = vector.shape_cast %slice3A_399 : vector<1x256x256xbf16> to vector<256x256xbf16>
    %slice3A_401 = vector.extract_strided_slice %reshape3A_248 {offsets = [18, 0, 0], sizes = [1, 256, 256], strides = [1, 1, 1]} : vector<25x256x256xbf16> to vector<1x256x256xbf16>
    %squeeze3A_402 = vector.shape_cast %slice3A_401 : vector<1x256x256xbf16> to vector<256x256xbf16>
    %add3A_403 = arith.addf %squeeze3A_400, %squeeze3A_402 : vector<256x256xbf16>
    %mul3A_404 = arith.constant 5.000000e-01 : bf16
    %mul3A_405 = vector.broadcast %mul3A_404 : bf16 to vector<256x256xbf16>
    %mul3A_406 = arith.mulf %add3A_403, %mul3A_405 : vector<256x256xbf16>
    %broadcast_in_dim3A_407 = vector.shape_cast %mul3A_406 : vector<256x256xbf16> to vector<1x256x256xbf16>
    %slice3A_408 = vector.extract_strided_slice %reshape3A_248 {offsets = [17, 0, 0], sizes = [1, 256, 256], strides = [1, 1, 1]} : vector<25x256x256xbf16> to vector<1x256x256xbf16>
    %squeeze3A_409 = vector.shape_cast %slice3A_408 : vector<1x256x256xbf16> to vector<256x256xbf16>
    %slice3A_410 = vector.extract_strided_slice %reshape3A_248 {offsets = [19, 0, 0], sizes = [1, 256, 256], strides = [1, 1, 1]} : vector<25x256x256xbf16> to vector<1x256x256xbf16>
    %squeeze3A_411 = vector.shape_cast %slice3A_410 : vector<1x256x256xbf16> to vector<256x256xbf16>
    %add3A_412 = arith.addf %squeeze3A_409, %squeeze3A_411 : vector<256x256xbf16>
    %mul3A_413 = arith.constant 5.000000e-01 : bf16
    %mul3A_414 = vector.broadcast %mul3A_413 : bf16 to vector<256x256xbf16>
    %mul3A_415 = arith.mulf %add3A_412, %mul3A_414 : vector<256x256xbf16>
    %broadcast_in_dim3A_416 = vector.shape_cast %mul3A_415 : vector<256x256xbf16> to vector<1x256x256xbf16>
    %slice3A_417 = vector.extract_strided_slice %reshape3A_248 {offsets = [18, 0, 0], sizes = [1, 256, 256], strides = [1, 1, 1]} : vector<25x256x256xbf16> to vector<1x256x256xbf16>
    %squeeze3A_418 = vector.shape_cast %slice3A_417 : vector<1x256x256xbf16> to vector<256x256xbf16>
    %mul3A_419 = arith.constant 1.000000e+00 : bf16
    %mul3A_420 = vector.broadcast %mul3A_419 : bf16 to vector<256x256xbf16>
    %mul3A_421 = arith.mulf %squeeze3A_418, %mul3A_420 : vector<256x256xbf16>
    %broadcast_in_dim3A_422 = vector.shape_cast %mul3A_421 : vector<256x256xbf16> to vector<1x256x256xbf16>
    %slice3A_423 = vector.extract_strided_slice %reshape3A_248 {offsets = [1, 0, 0], sizes = [1, 256, 256], strides = [1, 1, 1]} : vector<25x256x256xbf16> to vector<1x256x256xbf16>
    %squeeze3A_424 = vector.shape_cast %slice3A_423 : vector<1x256x256xbf16> to vector<256x256xbf16>
    %slice3A_425 = vector.extract_strided_slice %reshape3A_248 {offsets = [2, 0, 0], sizes = [1, 256, 256], strides = [1, 1, 1]} : vector<25x256x256xbf16> to vector<1x256x256xbf16>
    %squeeze3A_426 = vector.shape_cast %slice3A_425 : vector<1x256x256xbf16> to vector<256x256xbf16>
    %add3A_427 = arith.addf %squeeze3A_424, %squeeze3A_426 : vector<256x256xbf16>
    %slice3A_428 = vector.extract_strided_slice %reshape3A_248 {offsets = [4, 0, 0], sizes = [1, 256, 256], strides = [1, 1, 1]} : vector<25x256x256xbf16> to vector<1x256x256xbf16>
    %squeeze3A_429 = vector.shape_cast %slice3A_428 : vector<1x256x256xbf16> to vector<256x256xbf16>
    %add3A_430 = arith.addf %add3A_427, %squeeze3A_429 : vector<256x256xbf16>
    %slice3A_431 = vector.extract_strided_slice %reshape3A_248 {offsets = [8, 0, 0], sizes = [1, 256, 256], strides = [1, 1, 1]} : vector<25x256x256xbf16> to vector<1x256x256xbf16>
    %squeeze3A_432 = vector.shape_cast %slice3A_431 : vector<1x256x256xbf16> to vector<256x256xbf16>
    %add3A_433 = arith.addf %add3A_430, %squeeze3A_432 : vector<256x256xbf16>
    %mul3A_434 = arith.constant 2.500000e-01 : bf16
    %mul3A_435 = vector.broadcast %mul3A_434 : bf16 to vector<256x256xbf16>
    %mul3A_436 = arith.mulf %add3A_433, %mul3A_435 : vector<256x256xbf16>
    %broadcast_in_dim3A_437 = vector.shape_cast %mul3A_436 : vector<256x256xbf16> to vector<1x256x256xbf16>
    %slice3A_438 = vector.extract_strided_slice %reshape3A_248 {offsets = [22, 0, 0], sizes = [1, 256, 256], strides = [1, 1, 1]} : vector<25x256x256xbf16> to vector<1x256x256xbf16>
    %squeeze3A_439 = vector.shape_cast %slice3A_438 : vector<1x256x256xbf16> to vector<256x256xbf16>
    %mul3A_440 = arith.constant 1.000000e+00 : bf16
    %mul3A_441 = vector.broadcast %mul3A_440 : bf16 to vector<256x256xbf16>
    %mul3A_442 = arith.mulf %squeeze3A_439, %mul3A_441 : vector<256x256xbf16>
    %broadcast_in_dim3A_443 = vector.shape_cast %mul3A_442 : vector<256x256xbf16> to vector<1x256x256xbf16>
    %slice3A_444 = vector.extract_strided_slice %reshape3A_248 {offsets = [21, 0, 0], sizes = [1, 256, 256], strides = [1, 1, 1]} : vector<25x256x256xbf16> to vector<1x256x256xbf16>
    %squeeze3A_445 = vector.shape_cast %slice3A_444 : vector<1x256x256xbf16> to vector<256x256xbf16>
    %slice3A_446 = vector.extract_strided_slice %reshape3A_248 {offsets = [7, 0, 0], sizes = [1, 256, 256], strides = [1, 1, 1]} : vector<25x256x256xbf16> to vector<1x256x256xbf16>
    %squeeze3A_447 = vector.shape_cast %slice3A_446 : vector<1x256x256xbf16> to vector<256x256xbf16>
    %add3A_448 = arith.addf %squeeze3A_445, %squeeze3A_447 : vector<256x256xbf16>
    %mul3A_449 = arith.constant 5.000000e-01 : bf16
    %mul3A_450 = vector.broadcast %mul3A_449 : bf16 to vector<256x256xbf16>
    %mul3A_451 = arith.mulf %add3A_448, %mul3A_450 : vector<256x256xbf16>
    %broadcast_in_dim3A_452 = vector.shape_cast %mul3A_451 : vector<256x256xbf16> to vector<1x256x256xbf16>
    %slice3A_453 = vector.extract_strided_slice %reshape3A_248 {offsets = [24, 0, 0], sizes = [1, 256, 256], strides = [1, 1, 1]} : vector<25x256x256xbf16> to vector<1x256x256xbf16>
    %squeeze3A_454 = vector.shape_cast %slice3A_453 : vector<1x256x256xbf16> to vector<256x256xbf16>
    %mul3A_455 = arith.constant 1.000000e+00 : bf16
    %mul3A_456 = vector.broadcast %mul3A_455 : bf16 to vector<256x256xbf16>
    %mul3A_457 = arith.mulf %squeeze3A_454, %mul3A_456 : vector<256x256xbf16>
    %broadcast_in_dim3A_458 = vector.shape_cast %mul3A_457 : vector<256x256xbf16> to vector<1x256x256xbf16>
    %slice3A_459 = vector.extract_strided_slice %reshape3A_248 {offsets = [23, 0, 0], sizes = [1, 256, 256], strides = [1, 1, 1]} : vector<25x256x256xbf16> to vector<1x256x256xbf16>
    %squeeze3A_460 = vector.shape_cast %slice3A_459 : vector<1x256x256xbf16> to vector<256x256xbf16>
    %slice3A_461 = vector.extract_strided_slice %reshape3A_248 {offsets = [11, 0, 0], sizes = [1, 256, 256], strides = [1, 1, 1]} : vector<25x256x256xbf16> to vector<1x256x256xbf16>
    %squeeze3A_462 = vector.shape_cast %slice3A_461 : vector<1x256x256xbf16> to vector<256x256xbf16>
    %add3A_463 = arith.addf %squeeze3A_460, %squeeze3A_462 : vector<256x256xbf16>
    %mul3A_464 = arith.constant 5.000000e-01 : bf16
    %mul3A_465 = vector.broadcast %mul3A_464 : bf16 to vector<256x256xbf16>
    %mul3A_466 = arith.mulf %add3A_463, %mul3A_465 : vector<256x256xbf16>
    %broadcast_in_dim3A_467 = vector.shape_cast %mul3A_466 : vector<256x256xbf16> to vector<1x256x256xbf16>
    %concatenate3A_468 = tpu.concatenate %broadcast_in_dim3A_260, %broadcast_in_dim3A_269, %broadcast_in_dim3A_278, %broadcast_in_dim3A_284, %broadcast_in_dim3A_293, %broadcast_in_dim3A_302, %broadcast_in_dim3A_311, %broadcast_in_dim3A_320, %broadcast_in_dim3A_329, %broadcast_in_dim3A_338, %broadcast_in_dim3A_347, %broadcast_in_dim3A_356, %broadcast_in_dim3A_365, %broadcast_in_dim3A_374, %broadcast_in_dim3A_383, %broadcast_in_dim3A_389, %broadcast_in_dim3A_398, %broadcast_in_dim3A_407, %broadcast_in_dim3A_416, %broadcast_in_dim3A_422, %broadcast_in_dim3A_437, %broadcast_in_dim3A_443, %broadcast_in_dim3A_452, %broadcast_in_dim3A_458, %broadcast_in_dim3A_467 in 0 : vector<1x256x256xbf16>, vector<1x256x256xbf16>, vector<1x256x256xbf16>, vector<1x256x256xbf16>, vector<1x256x256xbf16>, vector<1x256x256xbf16>, vector<1x256x256xbf16>, vector<1x256x256xbf16>, vector<1x256x256xbf16>, vector<1x256x256xbf16>, vector<1x256x256xbf16>, vector<1x256x256xbf16>, vector<1x256x256xbf16>, vector<1x256x256xbf16>, vector<1x256x256xbf16>, vector<1x256x256xbf16>, vector<1x256x256xbf16>, vector<1x256x256xbf16>, vector<1x256x256xbf16>, vector<1x256x256xbf16>, vector<1x256x256xbf16>, vector<1x256x256xbf16>, vector<1x256x256xbf16>, vector<1x256x256xbf16>, vector<1x256x256xbf16> -> vector<25x256x256xbf16>
    %reshape3A_469 = vector.shape_cast %concatenate3A_468 : vector<25x256x256xbf16> to vector<6400x256xbf16>
    %slice3A_470 = vector.extract_strided_slice %convert_element_type3A_246 {offsets = [0, 256], sizes = [6400, 256], strides = [1, 1]} : vector<6400x512xbf16> to vector<6400x256xbf16>
    %add3A_471 = arith.addf %reshape3A_469, %slice3A_470 : vector<6400x256xbf16>
    %get3A_472 = arith.constant 0 : index
    %get3A_473 = arith.constant 0 : index
    %get3A_474 = vector.load %arg5[%get3A_472, %get3A_473] : memref<1x256xbf16, #tpu.memory_space<vmem>>, vector<1x256xbf16>
    %add3A_475 = vector.broadcast %get3A_474 : vector<1x256xbf16> to vector<6400x256xbf16>
    %add3A_476 = arith.addf %add3A_471, %add3A_475 : vector<6400x256xbf16>
    %max3A_477 = arith.constant 0.000000e+00 : bf16
    %max3A_478 = vector.broadcast %max3A_477 : bf16 to vector<6400x256xbf16>
    %max3A_479 = arith.maximumf %add3A_476, %max3A_478 : vector<6400x256xbf16>
    %add3A_480 = arith.addf %max3A_479, %add3A_240 : vector<6400x256xbf16>
    %get3A_481 = arith.constant 0 : index
    %get3A_482 = arith.constant 0 : index
    %get3A_483 = vector.load %arg6[%get3A_481, %get3A_482] : memref<256x512xbf16, #tpu.memory_space<vmem>>, vector<256x512xbf16>
    %dot_general3A_484 = arith.constant dense<0.000000e+00> : vector<6400x512xf32>
    %dot_general3A_485 = tpu.matmul %add3A_480, %get3A_483, %dot_general3A_484 {dimension_numbers = #tpu.dot_dimension_numbers<[1], [0], [0], [1], [0, 0, 1, 1], [], []>, transpose_lhs_hint = false} : vector<6400x256xbf16>, vector<256x512xbf16>, vector<6400x512xf32> -> vector<6400x512xf32>
    %convert_element_type3A_486 = arith.truncf %dot_general3A_485 : vector<6400x512xf32> to vector<6400x512xbf16>
    %slice3A_487 = vector.extract_strided_slice %convert_element_type3A_486 {offsets = [0, 0], sizes = [6400, 256], strides = [1, 1]} : vector<6400x512xbf16> to vector<6400x256xbf16>
    %reshape3A_488 = vector.shape_cast %slice3A_487 : vector<6400x256xbf16> to vector<25x256x256xbf16>
    %slice3A_489 = vector.extract_strided_slice %reshape3A_488 {offsets = [1, 0, 0], sizes = [1, 256, 256], strides = [1, 1, 1]} : vector<25x256x256xbf16> to vector<1x256x256xbf16>
    %squeeze3A_490 = vector.shape_cast %slice3A_489 : vector<1x256x256xbf16> to vector<256x256xbf16>
    %slice3A_491 = vector.extract_strided_slice %reshape3A_488 {offsets = [12, 0, 0], sizes = [1, 256, 256], strides = [1, 1, 1]} : vector<25x256x256xbf16> to vector<1x256x256xbf16>
    %squeeze3A_492 = vector.shape_cast %slice3A_491 : vector<1x256x256xbf16> to vector<256x256xbf16>
    %add3A_493 = arith.addf %squeeze3A_490, %squeeze3A_492 : vector<256x256xbf16>
    %slice3A_494 = vector.extract_strided_slice %reshape3A_488 {offsets = [16, 0, 0], sizes = [1, 256, 256], strides = [1, 1, 1]} : vector<25x256x256xbf16> to vector<1x256x256xbf16>
    %squeeze3A_495 = vector.shape_cast %slice3A_494 : vector<1x256x256xbf16> to vector<256x256xbf16>
    %add3A_496 = arith.addf %add3A_493, %squeeze3A_495 : vector<256x256xbf16>
    %mul3A_497 = arith.constant 3.339840e-01 : bf16
    %mul3A_498 = vector.broadcast %mul3A_497 : bf16 to vector<256x256xbf16>
    %mul3A_499 = arith.mulf %add3A_496, %mul3A_498 : vector<256x256xbf16>
    %broadcast_in_dim3A_500 = vector.shape_cast %mul3A_499 : vector<256x256xbf16> to vector<1x256x256xbf16>
    %slice3A_501 = vector.extract_strided_slice %reshape3A_488 {offsets = [0, 0, 0], sizes = [1, 256, 256], strides = [1, 1, 1]} : vector<25x256x256xbf16> to vector<1x256x256xbf16>
    %squeeze3A_502 = vector.shape_cast %slice3A_501 : vector<1x256x256xbf16> to vector<256x256xbf16>
    %slice3A_503 = vector.extract_strided_slice %reshape3A_488 {offsets = [20, 0, 0], sizes = [1, 256, 256], strides = [1, 1, 1]} : vector<25x256x256xbf16> to vector<1x256x256xbf16>
    %squeeze3A_504 = vector.shape_cast %slice3A_503 : vector<1x256x256xbf16> to vector<256x256xbf16>
    %add3A_505 = arith.addf %squeeze3A_502, %squeeze3A_504 : vector<256x256xbf16>
    %mul3A_506 = arith.constant 5.000000e-01 : bf16
    %mul3A_507 = vector.broadcast %mul3A_506 : bf16 to vector<256x256xbf16>
    %mul3A_508 = arith.mulf %add3A_505, %mul3A_507 : vector<256x256xbf16>
    %broadcast_in_dim3A_509 = vector.shape_cast %mul3A_508 : vector<256x256xbf16> to vector<1x256x256xbf16>
    %slice3A_510 = vector.extract_strided_slice %reshape3A_488 {offsets = [20, 0, 0], sizes = [1, 256, 256], strides = [1, 1, 1]} : vector<25x256x256xbf16> to vector<1x256x256xbf16>
    %squeeze3A_511 = vector.shape_cast %slice3A_510 : vector<1x256x256xbf16> to vector<256x256xbf16>
    %slice3A_512 = vector.extract_strided_slice %reshape3A_488 {offsets = [3, 0, 0], sizes = [1, 256, 256], strides = [1, 1, 1]} : vector<25x256x256xbf16> to vector<1x256x256xbf16>
    %squeeze3A_513 = vector.shape_cast %slice3A_512 : vector<1x256x256xbf16> to vector<256x256xbf16>
    %add3A_514 = arith.addf %squeeze3A_511, %squeeze3A_513 : vector<256x256xbf16>
    %mul3A_515 = arith.constant 5.000000e-01 : bf16
    %mul3A_516 = vector.broadcast %mul3A_515 : bf16 to vector<256x256xbf16>
    %mul3A_517 = arith.mulf %add3A_514, %mul3A_516 : vector<256x256xbf16>
    %broadcast_in_dim3A_518 = vector.shape_cast %mul3A_517 : vector<256x256xbf16> to vector<1x256x256xbf16>
    %slice3A_519 = vector.extract_strided_slice %reshape3A_488 {offsets = [2, 0, 0], sizes = [1, 256, 256], strides = [1, 1, 1]} : vector<25x256x256xbf16> to vector<1x256x256xbf16>
    %squeeze3A_520 = vector.shape_cast %slice3A_519 : vector<1x256x256xbf16> to vector<256x256xbf16>
    %mul3A_521 = arith.constant 1.000000e+00 : bf16
    %mul3A_522 = vector.broadcast %mul3A_521 : bf16 to vector<256x256xbf16>
    %mul3A_523 = arith.mulf %squeeze3A_520, %mul3A_522 : vector<256x256xbf16>
    %broadcast_in_dim3A_524 = vector.shape_cast %mul3A_523 : vector<256x256xbf16> to vector<1x256x256xbf16>
    %slice3A_525 = vector.extract_strided_slice %reshape3A_488 {offsets = [20, 0, 0], sizes = [1, 256, 256], strides = [1, 1, 1]} : vector<25x256x256xbf16> to vector<1x256x256xbf16>
    %squeeze3A_526 = vector.shape_cast %slice3A_525 : vector<1x256x256xbf16> to vector<256x256xbf16>
    %slice3A_527 = vector.extract_strided_slice %reshape3A_488 {offsets = [5, 0, 0], sizes = [1, 256, 256], strides = [1, 1, 1]} : vector<25x256x256xbf16> to vector<1x256x256xbf16>
    %squeeze3A_528 = vector.shape_cast %slice3A_527 : vector<1x256x256xbf16> to vector<256x256xbf16>
    %add3A_529 = arith.addf %squeeze3A_526, %squeeze3A_528 : vector<256x256xbf16>
    %mul3A_530 = arith.constant 5.000000e-01 : bf16
    %mul3A_531 = vector.broadcast %mul3A_530 : bf16 to vector<256x256xbf16>
    %mul3A_532 = arith.mulf %add3A_529, %mul3A_531 : vector<256x256xbf16>
    %broadcast_in_dim3A_533 = vector.shape_cast %mul3A_532 : vector<256x256xbf16> to vector<1x256x256xbf16>
    %slice3A_534 = vector.extract_strided_slice %reshape3A_488 {offsets = [4, 0, 0], sizes = [1, 256, 256], strides = [1, 1, 1]} : vector<25x256x256xbf16> to vector<1x256x256xbf16>
    %squeeze3A_535 = vector.shape_cast %slice3A_534 : vector<1x256x256xbf16> to vector<256x256xbf16>
    %slice3A_536 = vector.extract_strided_slice %reshape3A_488 {offsets = [6, 0, 0], sizes = [1, 256, 256], strides = [1, 1, 1]} : vector<25x256x256xbf16> to vector<1x256x256xbf16>
    %squeeze3A_537 = vector.shape_cast %slice3A_536 : vector<1x256x256xbf16> to vector<256x256xbf16>
    %add3A_538 = arith.addf %squeeze3A_535, %squeeze3A_537 : vector<256x256xbf16>
    %mul3A_539 = arith.constant 5.000000e-01 : bf16
    %mul3A_540 = vector.broadcast %mul3A_539 : bf16 to vector<256x256xbf16>
    %mul3A_541 = arith.mulf %add3A_538, %mul3A_540 : vector<256x256xbf16>
    %broadcast_in_dim3A_542 = vector.shape_cast %mul3A_541 : vector<256x256xbf16> to vector<1x256x256xbf16>
    %slice3A_543 = vector.extract_strided_slice %reshape3A_488 {offsets = [5, 0, 0], sizes = [1, 256, 256], strides = [1, 1, 1]} : vector<25x256x256xbf16> to vector<1x256x256xbf16>
    %squeeze3A_544 = vector.shape_cast %slice3A_543 : vector<1x256x256xbf16> to vector<256x256xbf16>
    %slice3A_545 = vector.extract_strided_slice %reshape3A_488 {offsets = [7, 0, 0], sizes = [1, 256, 256], strides = [1, 1, 1]} : vector<25x256x256xbf16> to vector<1x256x256xbf16>
    %squeeze3A_546 = vector.shape_cast %slice3A_545 : vector<1x256x256xbf16> to vector<256x256xbf16>
    %add3A_547 = arith.addf %squeeze3A_544, %squeeze3A_546 : vector<256x256xbf16>
    %mul3A_548 = arith.constant 5.000000e-01 : bf16
    %mul3A_549 = vector.broadcast %mul3A_548 : bf16 to vector<256x256xbf16>
    %mul3A_550 = arith.mulf %add3A_547, %mul3A_549 : vector<256x256xbf16>
    %broadcast_in_dim3A_551 = vector.shape_cast %mul3A_550 : vector<256x256xbf16> to vector<1x256x256xbf16>
    %slice3A_552 = vector.extract_strided_slice %reshape3A_488 {offsets = [6, 0, 0], sizes = [1, 256, 256], strides = [1, 1, 1]} : vector<25x256x256xbf16> to vector<1x256x256xbf16>
    %squeeze3A_553 = vector.shape_cast %slice3A_552 : vector<1x256x256xbf16> to vector<256x256xbf16>
    %slice3A_554 = vector.extract_strided_slice %reshape3A_488 {offsets = [22, 0, 0], sizes = [1, 256, 256], strides = [1, 1, 1]} : vector<25x256x256xbf16> to vector<1x256x256xbf16>
    %squeeze3A_555 = vector.shape_cast %slice3A_554 : vector<1x256x256xbf16> to vector<256x256xbf16>
    %add3A_556 = arith.addf %squeeze3A_553, %squeeze3A_555 : vector<256x256xbf16>
    %mul3A_557 = arith.constant 5.000000e-01 : bf16
    %mul3A_558 = vector.broadcast %mul3A_557 : bf16 to vector<256x256xbf16>
    %mul3A_559 = arith.mulf %add3A_556, %mul3A_558 : vector<256x256xbf16>
    %broadcast_in_dim3A_560 = vector.shape_cast %mul3A_559 : vector<256x256xbf16> to vector<1x256x256xbf16>
    %slice3A_561 = vector.extract_strided_slice %reshape3A_488 {offsets = [20, 0, 0], sizes = [1, 256, 256], strides = [1, 1, 1]} : vector<25x256x256xbf16> to vector<1x256x256xbf16>
    %squeeze3A_562 = vector.shape_cast %slice3A_561 : vector<1x256x256xbf16> to vector<256x256xbf16>
    %slice3A_563 = vector.extract_strided_slice %reshape3A_488 {offsets = [9, 0, 0], sizes = [1, 256, 256], strides = [1, 1, 1]} : vector<25x256x256xbf16> to vector<1x256x256xbf16>
    %squeeze3A_564 = vector.shape_cast %slice3A_563 : vector<1x256x256xbf16> to vector<256x256xbf16>
    %add3A_565 = arith.addf %squeeze3A_562, %squeeze3A_564 : vector<256x256xbf16>
    %mul3A_566 = arith.constant 5.000000e-01 : bf16
    %mul3A_567 = vector.broadcast %mul3A_566 : bf16 to vector<256x256xbf16>
    %mul3A_568 = arith.mulf %add3A_565, %mul3A_567 : vector<256x256xbf16>
    %broadcast_in_dim3A_569 = vector.shape_cast %mul3A_568 : vector<256x256xbf16> to vector<1x256x256xbf16>
    %slice3A_570 = vector.extract_strided_slice %reshape3A_488 {offsets = [8, 0, 0], sizes = [1, 256, 256], strides = [1, 1, 1]} : vector<25x256x256xbf16> to vector<1x256x256xbf16>
    %squeeze3A_571 = vector.shape_cast %slice3A_570 : vector<1x256x256xbf16> to vector<256x256xbf16>
    %slice3A_572 = vector.extract_strided_slice %reshape3A_488 {offsets = [10, 0, 0], sizes = [1, 256, 256], strides = [1, 1, 1]} : vector<25x256x256xbf16> to vector<1x256x256xbf16>
    %squeeze3A_573 = vector.shape_cast %slice3A_572 : vector<1x256x256xbf16> to vector<256x256xbf16>
    %add3A_574 = arith.addf %squeeze3A_571, %squeeze3A_573 : vector<256x256xbf16>
    %mul3A_575 = arith.constant 5.000000e-01 : bf16
    %mul3A_576 = vector.broadcast %mul3A_575 : bf16 to vector<256x256xbf16>
    %mul3A_577 = arith.mulf %add3A_574, %mul3A_576 : vector<256x256xbf16>
    %broadcast_in_dim3A_578 = vector.shape_cast %mul3A_577 : vector<256x256xbf16> to vector<1x256x256xbf16>
    %slice3A_579 = vector.extract_strided_slice %reshape3A_488 {offsets = [9, 0, 0], sizes = [1, 256, 256], strides = [1, 1, 1]} : vector<25x256x256xbf16> to vector<1x256x256xbf16>
    %squeeze3A_580 = vector.shape_cast %slice3A_579 : vector<1x256x256xbf16> to vector<256x256xbf16>
    %slice3A_581 = vector.extract_strided_slice %reshape3A_488 {offsets = [11, 0, 0], sizes = [1, 256, 256], strides = [1, 1, 1]} : vector<25x256x256xbf16> to vector<1x256x256xbf16>
    %squeeze3A_582 = vector.shape_cast %slice3A_581 : vector<1x256x256xbf16> to vector<256x256xbf16>
    %add3A_583 = arith.addf %squeeze3A_580, %squeeze3A_582 : vector<256x256xbf16>
    %mul3A_584 = arith.constant 5.000000e-01 : bf16
    %mul3A_585 = vector.broadcast %mul3A_584 : bf16 to vector<256x256xbf16>
    %mul3A_586 = arith.mulf %add3A_583, %mul3A_585 : vector<256x256xbf16>
    %broadcast_in_dim3A_587 = vector.shape_cast %mul3A_586 : vector<256x256xbf16> to vector<1x256x256xbf16>
    %slice3A_588 = vector.extract_strided_slice %reshape3A_488 {offsets = [10, 0, 0], sizes = [1, 256, 256], strides = [1, 1, 1]} : vector<25x256x256xbf16> to vector<1x256x256xbf16>
    %squeeze3A_589 = vector.shape_cast %slice3A_588 : vector<1x256x256xbf16> to vector<256x256xbf16>
    %slice3A_590 = vector.extract_strided_slice %reshape3A_488 {offsets = [24, 0, 0], sizes = [1, 256, 256], strides = [1, 1, 1]} : vector<25x256x256xbf16> to vector<1x256x256xbf16>
    %squeeze3A_591 = vector.shape_cast %slice3A_590 : vector<1x256x256xbf16> to vector<256x256xbf16>
    %add3A_592 = arith.addf %squeeze3A_589, %squeeze3A_591 : vector<256x256xbf16>
    %mul3A_593 = arith.constant 5.000000e-01 : bf16
    %mul3A_594 = vector.broadcast %mul3A_593 : bf16 to vector<256x256xbf16>
    %mul3A_595 = arith.mulf %add3A_592, %mul3A_594 : vector<256x256xbf16>
    %broadcast_in_dim3A_596 = vector.shape_cast %mul3A_595 : vector<256x256xbf16> to vector<1x256x256xbf16>
    %slice3A_597 = vector.extract_strided_slice %reshape3A_488 {offsets = [0, 0, 0], sizes = [1, 256, 256], strides = [1, 1, 1]} : vector<25x256x256xbf16> to vector<1x256x256xbf16>
    %squeeze3A_598 = vector.shape_cast %slice3A_597 : vector<1x256x256xbf16> to vector<256x256xbf16>
    %slice3A_599 = vector.extract_strided_slice %reshape3A_488 {offsets = [13, 0, 0], sizes = [1, 256, 256], strides = [1, 1, 1]} : vector<25x256x256xbf16> to vector<1x256x256xbf16>
    %squeeze3A_600 = vector.shape_cast %slice3A_599 : vector<1x256x256xbf16> to vector<256x256xbf16>
    %add3A_601 = arith.addf %squeeze3A_598, %squeeze3A_600 : vector<256x256xbf16>
    %mul3A_602 = arith.constant 5.000000e-01 : bf16
    %mul3A_603 = vector.broadcast %mul3A_602 : bf16 to vector<256x256xbf16>
    %mul3A_604 = arith.mulf %add3A_601, %mul3A_603 : vector<256x256xbf16>
    %broadcast_in_dim3A_605 = vector.shape_cast %mul3A_604 : vector<256x256xbf16> to vector<1x256x256xbf16>
    %slice3A_606 = vector.extract_strided_slice %reshape3A_488 {offsets = [12, 0, 0], sizes = [1, 256, 256], strides = [1, 1, 1]} : vector<25x256x256xbf16> to vector<1x256x256xbf16>
    %squeeze3A_607 = vector.shape_cast %slice3A_606 : vector<1x256x256xbf16> to vector<256x256xbf16>
    %slice3A_608 = vector.extract_strided_slice %reshape3A_488 {offsets = [14, 0, 0], sizes = [1, 256, 256], strides = [1, 1, 1]} : vector<25x256x256xbf16> to vector<1x256x256xbf16>
    %squeeze3A_609 = vector.shape_cast %slice3A_608 : vector<1x256x256xbf16> to vector<256x256xbf16>
    %add3A_610 = arith.addf %squeeze3A_607, %squeeze3A_609 : vector<256x256xbf16>
    %mul3A_611 = arith.constant 5.000000e-01 : bf16
    %mul3A_612 = vector.broadcast %mul3A_611 : bf16 to vector<256x256xbf16>
    %mul3A_613 = arith.mulf %add3A_610, %mul3A_612 : vector<256x256xbf16>
    %broadcast_in_dim3A_614 = vector.shape_cast %mul3A_613 : vector<256x256xbf16> to vector<1x256x256xbf16>
    %slice3A_615 = vector.extract_strided_slice %reshape3A_488 {offsets = [13, 0, 0], sizes = [1, 256, 256], strides = [1, 1, 1]} : vector<25x256x256xbf16> to vector<1x256x256xbf16>
    %squeeze3A_616 = vector.shape_cast %slice3A_615 : vector<1x256x256xbf16> to vector<256x256xbf16>
    %slice3A_617 = vector.extract_strided_slice %reshape3A_488 {offsets = [15, 0, 0], sizes = [1, 256, 256], strides = [1, 1, 1]} : vector<25x256x256xbf16> to vector<1x256x256xbf16>
    %squeeze3A_618 = vector.shape_cast %slice3A_617 : vector<1x256x256xbf16> to vector<256x256xbf16>
    %add3A_619 = arith.addf %squeeze3A_616, %squeeze3A_618 : vector<256x256xbf16>
    %mul3A_620 = arith.constant 5.000000e-01 : bf16
    %mul3A_621 = vector.broadcast %mul3A_620 : bf16 to vector<256x256xbf16>
    %mul3A_622 = arith.mulf %add3A_619, %mul3A_621 : vector<256x256xbf16>
    %broadcast_in_dim3A_623 = vector.shape_cast %mul3A_622 : vector<256x256xbf16> to vector<1x256x256xbf16>
    %slice3A_624 = vector.extract_strided_slice %reshape3A_488 {offsets = [14, 0, 0], sizes = [1, 256, 256], strides = [1, 1, 1]} : vector<25x256x256xbf16> to vector<1x256x256xbf16>
    %squeeze3A_625 = vector.shape_cast %slice3A_624 : vector<1x256x256xbf16> to vector<256x256xbf16>
    %mul3A_626 = arith.constant 1.000000e+00 : bf16
    %mul3A_627 = vector.broadcast %mul3A_626 : bf16 to vector<256x256xbf16>
    %mul3A_628 = arith.mulf %squeeze3A_625, %mul3A_627 : vector<256x256xbf16>
    %broadcast_in_dim3A_629 = vector.shape_cast %mul3A_628 : vector<256x256xbf16> to vector<1x256x256xbf16>
    %slice3A_630 = vector.extract_strided_slice %reshape3A_488 {offsets = [0, 0, 0], sizes = [1, 256, 256], strides = [1, 1, 1]} : vector<25x256x256xbf16> to vector<1x256x256xbf16>
    %squeeze3A_631 = vector.shape_cast %slice3A_630 : vector<1x256x256xbf16> to vector<256x256xbf16>
    %slice3A_632 = vector.extract_strided_slice %reshape3A_488 {offsets = [17, 0, 0], sizes = [1, 256, 256], strides = [1, 1, 1]} : vector<25x256x256xbf16> to vector<1x256x256xbf16>
    %squeeze3A_633 = vector.shape_cast %slice3A_632 : vector<1x256x256xbf16> to vector<256x256xbf16>
    %add3A_634 = arith.addf %squeeze3A_631, %squeeze3A_633 : vector<256x256xbf16>
    %mul3A_635 = arith.constant 5.000000e-01 : bf16
    %mul3A_636 = vector.broadcast %mul3A_635 : bf16 to vector<256x256xbf16>
    %mul3A_637 = arith.mulf %add3A_634, %mul3A_636 : vector<256x256xbf16>
    %broadcast_in_dim3A_638 = vector.shape_cast %mul3A_637 : vector<256x256xbf16> to vector<1x256x256xbf16>
    %slice3A_639 = vector.extract_strided_slice %reshape3A_488 {offsets = [16, 0, 0], sizes = [1, 256, 256], strides = [1, 1, 1]} : vector<25x256x256xbf16> to vector<1x256x256xbf16>
    %squeeze3A_640 = vector.shape_cast %slice3A_639 : vector<1x256x256xbf16> to vector<256x256xbf16>
    %slice3A_641 = vector.extract_strided_slice %reshape3A_488 {offsets = [18, 0, 0], sizes = [1, 256, 256], strides = [1, 1, 1]} : vector<25x256x256xbf16> to vector<1x256x256xbf16>
    %squeeze3A_642 = vector.shape_cast %slice3A_641 : vector<1x256x256xbf16> to vector<256x256xbf16>
    %add3A_643 = arith.addf %squeeze3A_640, %squeeze3A_642 : vector<256x256xbf16>
    %mul3A_644 = arith.constant 5.000000e-01 : bf16
    %mul3A_645 = vector.broadcast %mul3A_644 : bf16 to vector<256x256xbf16>
    %mul3A_646 = arith.mulf %add3A_643, %mul3A_645 : vector<256x256xbf16>
    %broadcast_in_dim3A_647 = vector.shape_cast %mul3A_646 : vector<256x256xbf16> to vector<1x256x256xbf16>
    %slice3A_648 = vector.extract_strided_slice %reshape3A_488 {offsets = [17, 0, 0], sizes = [1, 256, 256], strides = [1, 1, 1]} : vector<25x256x256xbf16> to vector<1x256x256xbf16>
    %squeeze3A_649 = vector.shape_cast %slice3A_648 : vector<1x256x256xbf16> to vector<256x256xbf16>
    %slice3A_650 = vector.extract_strided_slice %reshape3A_488 {offsets = [19, 0, 0], sizes = [1, 256, 256], strides = [1, 1, 1]} : vector<25x256x256xbf16> to vector<1x256x256xbf16>
    %squeeze3A_651 = vector.shape_cast %slice3A_650 : vector<1x256x256xbf16> to vector<256x256xbf16>
    %add3A_652 = arith.addf %squeeze3A_649, %squeeze3A_651 : vector<256x256xbf16>
    %mul3A_653 = arith.constant 5.000000e-01 : bf16
    %mul3A_654 = vector.broadcast %mul3A_653 : bf16 to vector<256x256xbf16>
    %mul3A_655 = arith.mulf %add3A_652, %mul3A_654 : vector<256x256xbf16>
    %broadcast_in_dim3A_656 = vector.shape_cast %mul3A_655 : vector<256x256xbf16> to vector<1x256x256xbf16>
    %slice3A_657 = vector.extract_strided_slice %reshape3A_488 {offsets = [18, 0, 0], sizes = [1, 256, 256], strides = [1, 1, 1]} : vector<25x256x256xbf16> to vector<1x256x256xbf16>
    %squeeze3A_658 = vector.shape_cast %slice3A_657 : vector<1x256x256xbf16> to vector<256x256xbf16>
    %mul3A_659 = arith.constant 1.000000e+00 : bf16
    %mul3A_660 = vector.broadcast %mul3A_659 : bf16 to vector<256x256xbf16>
    %mul3A_661 = arith.mulf %squeeze3A_658, %mul3A_660 : vector<256x256xbf16>
    %broadcast_in_dim3A_662 = vector.shape_cast %mul3A_661 : vector<256x256xbf16> to vector<1x256x256xbf16>
    %slice3A_663 = vector.extract_strided_slice %reshape3A_488 {offsets = [1, 0, 0], sizes = [1, 256, 256], strides = [1, 1, 1]} : vector<25x256x256xbf16> to vector<1x256x256xbf16>
    %squeeze3A_664 = vector.shape_cast %slice3A_663 : vector<1x256x256xbf16> to vector<256x256xbf16>
    %slice3A_665 = vector.extract_strided_slice %reshape3A_488 {offsets = [2, 0, 0], sizes = [1, 256, 256], strides = [1, 1, 1]} : vector<25x256x256xbf16> to vector<1x256x256xbf16>
    %squeeze3A_666 = vector.shape_cast %slice3A_665 : vector<1x256x256xbf16> to vector<256x256xbf16>
    %add3A_667 = arith.addf %squeeze3A_664, %squeeze3A_666 : vector<256x256xbf16>
    %slice3A_668 = vector.extract_strided_slice %reshape3A_488 {offsets = [4, 0, 0], sizes = [1, 256, 256], strides = [1, 1, 1]} : vector<25x256x256xbf16> to vector<1x256x256xbf16>
    %squeeze3A_669 = vector.shape_cast %slice3A_668 : vector<1x256x256xbf16> to vector<256x256xbf16>
    %add3A_670 = arith.addf %add3A_667, %squeeze3A_669 : vector<256x256xbf16>
    %slice3A_671 = vector.extract_strided_slice %reshape3A_488 {offsets = [8, 0, 0], sizes = [1, 256, 256], strides = [1, 1, 1]} : vector<25x256x256xbf16> to vector<1x256x256xbf16>
    %squeeze3A_672 = vector.shape_cast %slice3A_671 : vector<1x256x256xbf16> to vector<256x256xbf16>
    %add3A_673 = arith.addf %add3A_670, %squeeze3A_672 : vector<256x256xbf16>
    %mul3A_674 = arith.constant 2.500000e-01 : bf16
    %mul3A_675 = vector.broadcast %mul3A_674 : bf16 to vector<256x256xbf16>
    %mul3A_676 = arith.mulf %add3A_673, %mul3A_675 : vector<256x256xbf16>
    %broadcast_in_dim3A_677 = vector.shape_cast %mul3A_676 : vector<256x256xbf16> to vector<1x256x256xbf16>
    %slice3A_678 = vector.extract_strided_slice %reshape3A_488 {offsets = [22, 0, 0], sizes = [1, 256, 256], strides = [1, 1, 1]} : vector<25x256x256xbf16> to vector<1x256x256xbf16>
    %squeeze3A_679 = vector.shape_cast %slice3A_678 : vector<1x256x256xbf16> to vector<256x256xbf16>
    %mul3A_680 = arith.constant 1.000000e+00 : bf16
    %mul3A_681 = vector.broadcast %mul3A_680 : bf16 to vector<256x256xbf16>
    %mul3A_682 = arith.mulf %squeeze3A_679, %mul3A_681 : vector<256x256xbf16>
    %broadcast_in_dim3A_683 = vector.shape_cast %mul3A_682 : vector<256x256xbf16> to vector<1x256x256xbf16>
    %slice3A_684 = vector.extract_strided_slice %reshape3A_488 {offsets = [21, 0, 0], sizes = [1, 256, 256], strides = [1, 1, 1]} : vector<25x256x256xbf16> to vector<1x256x256xbf16>
    %squeeze3A_685 = vector.shape_cast %slice3A_684 : vector<1x256x256xbf16> to vector<256x256xbf16>
    %slice3A_686 = vector.extract_strided_slice %reshape3A_488 {offsets = [7, 0, 0], sizes = [1, 256, 256], strides = [1, 1, 1]} : vector<25x256x256xbf16> to vector<1x256x256xbf16>
    %squeeze3A_687 = vector.shape_cast %slice3A_686 : vector<1x256x256xbf16> to vector<256x256xbf16>
    %add3A_688 = arith.addf %squeeze3A_685, %squeeze3A_687 : vector<256x256xbf16>
    %mul3A_689 = arith.constant 5.000000e-01 : bf16
    %mul3A_690 = vector.broadcast %mul3A_689 : bf16 to vector<256x256xbf16>
    %mul3A_691 = arith.mulf %add3A_688, %mul3A_690 : vector<256x256xbf16>
    %broadcast_in_dim3A_692 = vector.shape_cast %mul3A_691 : vector<256x256xbf16> to vector<1x256x256xbf16>
    %slice3A_693 = vector.extract_strided_slice %reshape3A_488 {offsets = [24, 0, 0], sizes = [1, 256, 256], strides = [1, 1, 1]} : vector<25x256x256xbf16> to vector<1x256x256xbf16>
    %squeeze3A_694 = vector.shape_cast %slice3A_693 : vector<1x256x256xbf16> to vector<256x256xbf16>
    %mul3A_695 = arith.constant 1.000000e+00 : bf16
    %mul3A_696 = vector.broadcast %mul3A_695 : bf16 to vector<256x256xbf16>
    %mul3A_697 = arith.mulf %squeeze3A_694, %mul3A_696 : vector<256x256xbf16>
    %broadcast_in_dim3A_698 = vector.shape_cast %mul3A_697 : vector<256x256xbf16> to vector<1x256x256xbf16>
    %slice3A_699 = vector.extract_strided_slice %reshape3A_488 {offsets = [23, 0, 0], sizes = [1, 256, 256], strides = [1, 1, 1]} : vector<25x256x256xbf16> to vector<1x256x256xbf16>
    %squeeze3A_700 = vector.shape_cast %slice3A_699 : vector<1x256x256xbf16> to vector<256x256xbf16>
    %slice3A_701 = vector.extract_strided_slice %reshape3A_488 {offsets = [11, 0, 0], sizes = [1, 256, 256], strides = [1, 1, 1]} : vector<25x256x256xbf16> to vector<1x256x256xbf16>
    %squeeze3A_702 = vector.shape_cast %slice3A_701 : vector<1x256x256xbf16> to vector<256x256xbf16>
    %add3A_703 = arith.addf %squeeze3A_700, %squeeze3A_702 : vector<256x256xbf16>
    %mul3A_704 = arith.constant 5.000000e-01 : bf16
    %mul3A_705 = vector.broadcast %mul3A_704 : bf16 to vector<256x256xbf16>
    %mul3A_706 = arith.mulf %add3A_703, %mul3A_705 : vector<256x256xbf16>
    %broadcast_in_dim3A_707 = vector.shape_cast %mul3A_706 : vector<256x256xbf16> to vector<1x256x256xbf16>
    %concatenate3A_708 = tpu.concatenate %broadcast_in_dim3A_500, %broadcast_in_dim3A_509, %broadcast_in_dim3A_518, %broadcast_in_dim3A_524, %broadcast_in_dim3A_533, %broadcast_in_dim3A_542, %broadcast_in_dim3A_551, %broadcast_in_dim3A_560, %broadcast_in_dim3A_569, %broadcast_in_dim3A_578, %broadcast_in_dim3A_587, %broadcast_in_dim3A_596, %broadcast_in_dim3A_605, %broadcast_in_dim3A_614, %broadcast_in_dim3A_623, %broadcast_in_dim3A_629, %broadcast_in_dim3A_638, %broadcast_in_dim3A_647, %broadcast_in_dim3A_656, %broadcast_in_dim3A_662, %broadcast_in_dim3A_677, %broadcast_in_dim3A_683, %broadcast_in_dim3A_692, %broadcast_in_dim3A_698, %broadcast_in_dim3A_707 in 0 : vector<1x256x256xbf16>, vector<1x256x256xbf16>, vector<1x256x256xbf16>, vector<1x256x256xbf16>, vector<1x256x256xbf16>, vector<1x256x256xbf16>, vector<1x256x256xbf16>, vector<1x256x256xbf16>, vector<1x256x256xbf16>, vector<1x256x256xbf16>, vector<1x256x256xbf16>, vector<1x256x256xbf16>, vector<1x256x256xbf16>, vector<1x256x256xbf16>, vector<1x256x256xbf16>, vector<1x256x256xbf16>, vector<1x256x256xbf16>, vector<1x256x256xbf16>, vector<1x256x256xbf16>, vector<1x256x256xbf16>, vector<1x256x256xbf16>, vector<1x256x256xbf16>, vector<1x256x256xbf16>, vector<1x256x256xbf16>, vector<1x256x256xbf16> -> vector<25x256x256xbf16>
    %reshape3A_709 = vector.shape_cast %concatenate3A_708 : vector<25x256x256xbf16> to vector<6400x256xbf16>
    %slice3A_710 = vector.extract_strided_slice %convert_element_type3A_486 {offsets = [0, 256], sizes = [6400, 256], strides = [1, 1]} : vector<6400x512xbf16> to vector<6400x256xbf16>
    %add3A_711 = arith.addf %reshape3A_709, %slice3A_710 : vector<6400x256xbf16>
    %get3A_712 = arith.constant 0 : index
    %get3A_713 = arith.constant 0 : index
    %get3A_714 = vector.load %arg7[%get3A_712, %get3A_713] : memref<1x256xbf16, #tpu.memory_space<vmem>>, vector<1x256xbf16>
    %add3A_715 = vector.broadcast %get3A_714 : vector<1x256xbf16> to vector<6400x256xbf16>
    %add3A_716 = arith.addf %add3A_711, %add3A_715 : vector<6400x256xbf16>
    %max3A_717 = arith.constant 0.000000e+00 : bf16
    %max3A_718 = vector.broadcast %max3A_717 : bf16 to vector<6400x256xbf16>
    %max3A_719 = arith.maximumf %add3A_716, %max3A_718 : vector<6400x256xbf16>
    %add3A_720 = arith.addf %max3A_719, %add3A_480 : vector<6400x256xbf16>
    %reshape3A_721 = vector.shape_cast %add3A_720 : vector<6400x256xbf16> to vector<25x256x256xbf16>
    %convert_element_type3A_722 = arith.extf %reshape3A_721 : vector<25x256x256xbf16> to vector<25x256x256xf32>
    %swap3A = arith.constant 0 : index
    %swap3A_723 = arith.constant 0 : index
    %swap3A_724 = arith.constant 0 : index
    %swap3A_725 = vector.load %arg8[%swap3A, %swap3A_723, %swap3A_724] : memref<25x256x256xf32, #tpu.memory_space<vmem>>, vector<25x256x256xf32>
    tpu.vector_store %arg8[%swap3A, %swap3A_723, %swap3A_724], %convert_element_type3A_722 {strides = array<i32>} : memref<25x256x256xf32, #tpu.memory_space<vmem>>, vector<25x256x256xf32>,
    return
  }
  func.func @transform_0(%arg0: i32) -> (i32, i32, i32) {
    %c0_i32 = arith.constant 0 : i32
    %c0_i32_0 = arith.constant 0 : i32
    %c0_i32_1 = arith.constant 0 : i32
    return %c0_i32, %arg0, %c0_i32_0 : i32, i32, i32
  }
  func.func @transform_1(%arg0: i32) -> (i32, i32) {
    %c0_i32 = arith.constant 0 : i32
    %c0_i32_0 = arith.constant 0 : i32
    %c0_i32_1 = arith.constant 0 : i32
    return %c0_i32, %c0_i32_0 : i32, i32
  }
  func.func @transform_2(%arg0: i32) -> (i32, i32) {
    %c0_i32 = arith.constant 0 : i32
    %c0_i32_0 = arith.constant 0 : i32
    %c0_i32_1 = arith.constant 0 : i32
    return %c0_i32, %c0_i32_0 : i32, i32
  }
  func.func @transform_3(%arg0: i32) -> (i32, i32) {
    %c0_i32 = arith.constant 0 : i32
    %c0_i32_0 = arith.constant 0 : i32
    %c0_i32_1 = arith.constant 0 : i32
    return %c0_i32, %c0_i32_0 : i32, i32
  }
  func.func @transform_4(%arg0: i32) -> (i32, i32) {
    %c0_i32 = arith.constant 0 : i32
    %c0_i32_0 = arith.constant 0 : i32
    %c0_i32_1 = arith.constant 0 : i32
    return %c0_i32, %c0_i32_0 : i32, i32
  }
  func.func @transform_5(%arg0: i32) -> (i32, i32) {
    %c0_i32 = arith.constant 0 : i32
    %c0_i32_0 = arith.constant 0 : i32
    %c0_i32_1 = arith.constant 0 : i32
    return %c0_i32, %c0_i32_0 : i32, i32
  }
  func.func @transform_6(%arg0: i32) -> (i32, i32) {
    %c0_i32 = arith.constant 0 : i32
    %c0_i32_0 = arith.constant 0 : i32
    %c0_i32_1 = arith.constant 0 : i32
    return %c0_i32, %c0_i32_0 : i32, i32
  }
  func.func @transform_7(%arg0: i32) -> (i32, i32, i32) {
    %c0_i32 = arith.constant 0 : i32
    %c0_i32_0 = arith.constant 0 : i32
    %c0_i32_1 = arith.constant 0 : i32
    return %c0_i32, %arg0, %c0_i32_0 : i32, i32, i32
  }
}

</mosaic_0001>

<sc_bundles>
// kernel: sparse-core-data-format-call.cloned.1.call-start
scs
called_computation_lowered:
.L_overlay_start_0:
0x0: {  	s2 =	sld [smem:$0x3FD9]  }
0x1: {  	s3 =	sld [smem:$0x3FFE];
	_ =	sdelay $0x1  }
0x2: {  	s1 =	srdreg.scid  }
0x3: {  	s0 =	sand.u32 $0x1, s1  }
0x4: {  	s18 =	sshll.u32 s0, $0xA;
	s2 =	sadd.s32 s3, s2  }
0x5: {  	s2 =	sadd.s32 s2, s18  }
0x6: {  	[smem:$0x3FB6] =	sst s2  }
0x7: {  	_ = 	snop  }
0x8: {  	s2 =	sld [smem:$0x3FD0];
	(tm) =	ssettm $0x1  }
0x9: {  	s19 =	sld [smem:$0x3FFB];
	_ =	sdelay $0x3  }
0xa: {  	_ =	strace s19  }
0xb: {  	s3 =	sld [smem:$0x3FFC];
	_ =	sdelay $0x3  }
0xc: {  	_ =	strace s3  }
0xd: {  	s3 =	sld [smem:$0x3FFD];
	_ =	sdelay $0x3  }
0xe: {  	_ =	strace s3  }
0xf: {  	_ =	strace $0x8FFFFFFF  }
0x10: {  	s20 =	sld [smem:$0x3FDB];
	_ =	sdelay $0x1  }
0x11: {  	s4 =	simm.s32 $_scs_section_size  }
0x12: {  	s5 =	simm.s32 $_size__tile_overlayer_lowered;
	s6 =	simm.s32 $_tile_overlayer_lowered  }
0x13: {  	s23 =	simm.s32 $0x1BFF;
	s22 =	sshll.u32 s6, $0x1;
	s3 =	sadd.s32 s4, s20  }
0x14: {  	s7 =	simm.s32 $0x0;
	s21 =	sshll.u32 s5, $0x1;
	s5 =	sadd.s32 s22, s3  }
0x15: {  	[timem:s7], [sflag:s23] =	dma.local [hbm:s5], s21  }
0x16: {  	_ =	swait.ge [sflag:s23], s21  }
0x17: {  	s4 =	ssub.s32 $0x0, s21;
	[sflag:s23] =	ssyncset.done $0x0  }
0x18: {  	[sflag:s23] =	ssyncadd.s32 s4;
	_ =	sdelay $0x1  }
0x19: {  	s24 =	simm.s32 $0x1B8B  }
0x1a: {  	_ =	swait.ge [sflag:s24], $0x1  }
0x1b: {  	[sflag:s24] =	ssyncset.done $0x0  }
0x1c: {  	s26 =	simm.s32 $0x1B8E;
	s25 =	sld [smem:$0x3FFE];
	[sflag:s24] =	ssyncadd.s32 $0xFFFFFFFF  }
0x1d: {  	s27 =	simm.s32 $execute0_lowered;
	[smem:$0x3FD2] =	sst s26  }
0x1e: {  	s5 =	sshll.u32 s27, $0x1;
	_ =	strace $0x80000046;
	[dreg:$0x1] =	wrdreg $0xFFFFFFFF  }
0x1f: {  	s28 =	simm.s32 $_size_execute0_lowered;
	s3 =	sadd.s32 s3, s5;
	[dreg:$0x0] =	wrdreg $0x0  }
0x20: {  	s5 =	sshll.u32 s28, $0x1;
	[dreg:$0x2] =	wrdreg s3  }
0x21: {  	[dreg:$0x3] =	wrdreg s5  }
0x22: {  	[dreg:$0x4] =	wrdreg $0xC0  }
0x23: {  	_ =	task [dreg:s7], $0x5FFFF  }
0x24: {  	[dreg:$0x1] =	wrdreg $0xFFFFFFFF  }
0x25: {  	[dreg:$0x0] =	wrdreg $0x60  }
0x26: {  	[dreg:$0x2] =	wrdreg s25  }
0x27: {  	[dreg:$0x3] =	wrdreg s2  }
0x28: {  	[dreg:$0x4] =	wrdreg $0x9  }
0x29: {  	_ =	task.clear_ibuf [dreg:s7], $0x5FFFF;
	_ =	strace $0x90000046  }
0x2a: {  	s29 =	simm.s32 $0x9;
	_ =	strace $0x80000048  }
0x2b: {  	_ =	swait.ge [sflag:s29], $0x1  }
0x2c: {  	[sflag:s29] =	ssyncadd.s32 $0xFFFFFFFF  }
0x2d: {  	_ =	strace $0x90000048  }
0x2e: {  	_ =	sfence  }
0x2f: {  	s30 =	sld [smem:$0x0];
	_ =	sdelay $0x2  }
0x30: {  	s31 =	sshll.u32 s1, $0xD;
	s1 =	sshrl.u32 s1, $0x2  }
0x31: {  	s3 =	sand.u32 $0x4000, s31;
	s1 =	sadd.s32 s1, s30  }
0x32: {  	s0 =	sor.u32 s3, s0;
	s1 =	sshll.u32 s1, $0x11  }
0x33: {  	s0 =	sor.u32 s1, s0  }
0x34: {  	s0 =	sadd.s32 $0x8F2B, s0  }
0x35: {  	[sflag:s0] =	ssyncadd.remote.s32 $0x1  }
0x36: {  	_ =	sfence.sel $0xFFFF  }
0x37: {  	[dreg:$0x0] =	wrdreg $0xFFFFFFFF;
	(pc) =	sbr.abs _section_cstart, $3  }
0x38: {  	[dreg:$0x1] =	wrdreg $0xFFFFFFFF  }
0x39: {  	_ =	task.clear_ibuf [dreg:s7], $0x2FFFF;
	_ =	strace $0x9FFFFFFF  }
0x3a: {  	(tm) =	ssettm $0x7FFFFFFF  }
0x3b: {  	_ =	shalt  }
tec
execute0_lowered:
.L_overlay_start_1:
0x0: {  	(tag) =	ssettag $0x1  }
0x1: {  	s0 =	srdreg.scid  }
0x2: {  	s1 =	sshll.u32 s0, $0x4  }
0x3: {  	s6 =	rddreg [dreg:$0x0];
	s0 =	stileid.u32;
	s1 =	sand.u32 $0x10, s1  }
0x4: {  	s3 =	rddreg [dreg:$0x1];
	s1 =	sor.u32 s0, s1  }
0x5: {  	s5 =	simm.s32 $0x1;
	s31 =	simm.s32 $0x2;
	s2 =	sshll.u32 s1, $0x7  }
0x6: {  	s14 =	simm.s32 $0x0;
	s8 =	simm.s32 $0x800;
	s4 =	ssub.s32 $0x1000, s2  }
0x7: {  	s9 =	simm.s32 $0x0;
	s15 =	simm.s32 $0x0;
	s30 =	sand.u32 $0xF80, s4  }
0x8: {  	s16 =	simm.s32 $0x0;
	s10 =	simm.s32 $0x0;
	p0 =	sne.s32 s30, $0x0  }
.Ltmp0:
0x9: {  	s7 =	sshrl.u32 s4, $0xC;
	s5 =	simm.s32 @!p0 $0x0;
	(pc) =	sbr.rel .LBB1_1-.Ltmp0, $4  }
0xa: {  	s11 =	simm.s32 $0x0;
	s1 =	rddreg [dreg:$0x2];
	s5 =	sadd.s32 s5, s7  }
0xb: {  	_ =	strace $0x80000047;
	s4 =	simm.s32 $0x1;
	s5 =	smul.u32 $0x32, s5  }
0xc: {  	s13 =	simm.s32 $0x0;
	s6 =	sadd.s32 $0x1200, s6;
	[sflag:s4] =	ssyncpa.u1 $0x0  }
0xd: {  	s12 =	smov.u32 s2;
	[sflag:s31] =	ssyncpa.u1 $0x0;
	s7 =	sor.u32 $0x1, s5  }
.LBB1_4:
0xe: {  	_ =	sdelay $0x3  }
0xf: {  	[tilespmem:v0+s19+$0xFFFFFFD0 ss:$0x1] =	vst.idx.msk $0xffff, v6  }
0x10: {  	v56 =	vld.idx.msk [tilespmem:v1+s18+$0x0 ss:$0x1], $0xffff;
	[tilespmem:v0+s19+$0xFFFFFFE0 ss:$0x1] =	vst.idx.msk $0xffff, v4  }
0x11: {  	v57 =	vld.idx.msk [tilespmem:v1+s18+$0xFFFFFF90 ss:$0x1], $0xffff;
	[tilespmem:v0+s19+$0xFFFFFFF0 ss:$0x1] =	vst.idx.msk $0xffff, v2  }
0x12: {  	v58 =	vld.idx.msk [tilespmem:v1+s18+$0xFFFFFFA0 ss:$0x1], $0xffff;
	[tilespmem:v0+s19+$0x0 ss:$0x1] =	vst.idx.msk $0xffff, v3  }
0x13: {  	v59 =	vld.idx.msk [tilespmem:v1+s18+$0xFFFFFFB0 ss:$0x1], $0xffff;
	[tilespmem:v0+s19+$0x10 ss:$0x1] =	vst.idx.msk $0xffff, v5  }
0x14: {  	v60 =	vld.idx.msk [tilespmem:v1+s18+$0xFFFFFFC0 ss:$0x1], $0xffff;
	[tilespmem:v0+s19+$0x20 ss:$0x1] =	vst.idx.msk $0xffff, v7  }
0x15: {  	v61 =	vld.idx.msk [tilespmem:v1+s18+$0xFFFFFFD0 ss:$0x1], $0xffff;
	s27 =	sshll.u32 s16, $0x8;
	[tilespmem:v0+s18+$0x30 ss:$0x1] =	vst.idx.msk $0xffff, v56  }
0x16: {  	s20 =	sshll.u32 s14, $0x3;
	v62 =	vld.idx.msk [tilespmem:v1+s18+$0xFFFFFFE0 ss:$0x1], $0xffff;
	s28 =	sshll.u32 s16, $0x7;
	s30 =	sand.u32 $0x78, s14;
	[tilespmem:v0+s18+$0xFFFFFFC0 ss:$0x1] =	vst.idx.msk $0xffff, v57  }
0x17: {  	v63 =	vld.idx.msk [tilespmem:v1+s18+$0xFFFFFFF0 ss:$0x1], $0xffff;
	s15 =	sshll.u32 s15, $0x11;
	s19 =	sand.u32 $0xFF800, s27;
	s20 =	sand.u32 $0xFFC00, s20;
	[tilespmem:v0+s18+$0xFFFFFFD0 ss:$0x1] =	vst.idx.msk $0xffff, v58  }
0x18: {  	s29 =	sand.u32 $0x300, s28;
	s16 =	sand.u32 $0x80, s28;
	s19 =	sadd.s32 s19, s20;
	[tilespmem:v0+s18+$0xFFFFFFE0 ss:$0x1] =	vst.idx.msk $0xffff, v59  }
0x19: {  	s31 =	sand.u32 $0x7, s14;
	s16 =	sor.u32 s16, s30;
	s19 =	sor.u32 s29, s19;
	[tilespmem:v0+s18+$0xFFFFFFF0 ss:$0x1] =	vst.idx.msk $0xffff, v60  }
0x1a: {  	s15 =	sadd.s32 s3, s15;
	s16 =	sshrl.u32 s16, $0x3;
	s19 =	sshrl.u32 s19, $0x3;
	[tilespmem:v0+s18+$0x0 ss:$0x1] =	vst.idx.msk $0xffff, v61  }
0x1b: {  	s14 =	sshll.u32 s31, $0x12;
	s15 =	sadd.s32 s16, s15;
	[tilespmem:v0+s18+$0x10 ss:$0x1] =	vst.idx.msk $0xffff, v62;
	s19 =	sand.u32 $0x1FFE0, s19  }
0x1c: {  	s14 =	sor.u32 $0x400, s14;
	[tilespmem:v0+s18+$0x20 ss:$0x1] =	vst.idx.msk $0xffff, v63;
	s15 =	sadd.s32 s19, s15  }
0x1d: {  	[hbm4b:s15+s14] =	stream.strided.scatter [tilespmem:s17], [sflag:$0x2], $0x4000, s8, s14, $0x38;
	[tilespmem:$0x10000] =	vst v63  }
.LBB1_5:
0x1e: {  	s17 =	sadd.s32 $0x80, s10  }
0x1f: {  	s14 =	simm.s32 $0x1;
	p1 =	sgt.s32 s17, $0xFF  }
0x20: {  	s14 =	simm.s32 @!p1 $0x0  }
0x21: {  	s18 =	sadd.s32 s14, s11  }
0x22: {  	s20 =	smov.u32 s12;
	s14 =	sadd.s32 $0x1000, s12;
	p2 =	sgt.s32 s18, $0x18  }
0x23: {  	s20 =	smov.u32 @p2 s14  }
0x24: {  	p0 =	slt.u32 s13, $0x2;
	s17 =	simm.s32 @p1 $0x0;
	p1 =	sgt.s32 s20, $0xFFF  }
0x25: {  	s19 =	simm.s32 @!p0 $0x2;
	s20 =	smov.u32 @p1 s2;
	p1 =	sne.s32 s13, s7  }
.Ltmp1:
0x26: {  	_ =	swait.ge @!p0 [sflag:s19], $0x4000;
	(pc) =	sbr.rel @!p1 .LBB1_6-.Ltmp1, $4  }
0x27: {  	s15 =	smov.u32 s11;
	[sflag:s19] =	ssyncset.done @!p0 $0x0  }
0x28: {  	s16 =	smov.u32 s12;
	s9 =	sadd.s32 $0x4000, s9;
	[sflag:s19] =	ssyncadd.s32 @!p0 $0xFFFFC000  }
0x29: {  	s18 =	simm.s32 @p2 $0x0;
	s14 =	smov.u32 s10;
	s10 =	smov.u32 s17  }
0x2a: {  	s11 =	smov.u32 s18;
	s13 =	sadd.s32 $0x1, s13;
	s12 =	smov.u32 s20  }
.LBB1_1:
0x2b: {  	p0 =	sge.u32 s13, s5  }
0x2c: {  	s31 =	sadd.s32 $0xFFFFFFFF, s13;
	s17 =	sxor.u32 @!p0 $0xFFFFFFFF, s13  }
0x2d: {  	s18 =	sshll.u32 @!p0 s11, $0x8;
	s19 =	sshll.u32 @!p0 s10, $0x3;
	s20 =	sshll.u32 @!p0 s11, $0x7  }
0x2e: {  	s21 =	sand.u32 @!p0 $0x78, s10;
	s18 =	sand.u32 @!p0 $0x1800, s18;
	s19 =	sand.u32 @!p0 $0x1C00, s19  }
0x2f: {  	s17 =	sshll.u32 @!p0 s17, $0xE;
	s18 =	sadd.s32 @!p0 s18, s19;
	s19 =	sand.u32 @!p0 $0x300, s20  }
0x30: {  	s17 =	sand.u32 @!p0 $0x4000, s17;
	s18 =	sor.u32 @!p0 s19, s18;
	s19 =	sand.u32 @!p0 $0x80, s20  }
0x31: {  	s20 =	sshll.u32 @!p0 s12, $0xA;
	s19 =	sor.u32 @!p0 s21, s19;
	s18 =	sshrl.u32 @!p0 s18, $0x3  }
0x32: {  	s20 =	sadd.s32 @!p0 s6, s20;
	s21 =	sand.u32 @!p0 $0x7, s10;
	s19 =	sshrl.u32 @!p0 s19, $0x3  }
0x33: {  	s18 =	sand.u32 @!p0 $0x3E0, s18;
	s19 =	sadd.s32 @!p0 s19, s20;
	s20 =	sshll.u32 @!p0 s21, $0x12  }
0x34: {  	s18 =	sadd.s32 @!p0 s18, s19;
	s19 =	sor.u32 @!p0 $0x80, s20;
	s20 =	simm.s32 @!p0 $0x2000  }
0x35: {  	[tilespmem:s17], [sflag:$0x1] =	stream.strided.gather @!p0 [hbm4b:s18+s19], $0x4000, s20, s19, $0x38;
	[tilespmem:$0x10000] =	vst v63  }
0x36: {  	p0 =	sge.u32 s31, s5  }
.Ltmp2:
0x37: {  	_ = 	snop;
	(pc) =	sbr.rel @p0 .LBB1_5-.Ltmp2, $1  }
0x38: {  	_ =	sdelay $0x3  }
0x39: {  	s17 =	sand.u32 $0x4000, s9  }
0x3a: {  	s18 =	sor.u32 $0x70, s17  }
0x3b: {  	v1 =	vmov s18;
	_ =	sdelay $0x1  }
0x3c: {  	_ =	swait.ge [sflag:s4], $0x4000  }
0x3d: {  	[sflag:s4] =	ssyncset.done $0x0  }
0x3e: {  	s19 =	simm.s32 $0x0;
	[sflag:s4] =	ssyncadd.s32 $0xFFFFC000  }
0x3f: {  	s17 =	sor.u32 $0x8040, s17;
	v7 =	vld.idx.msk [tilespmem:v1+s19+$0x0 ss:$0x1], $0xffff  }
0x40: {  	v0 =	vmov s17;
	v8 =	vld.idx.msk [tilespmem:v1+s19+$0xFFFFFF90 ss:$0x1], $0xffff  }
0x41: {  	v6 =	vld.idx.msk [tilespmem:v1+s19+$0xFFFFFFA0 ss:$0x1], $0xffff  }
0x42: {  	v4 =	vld.idx.msk [tilespmem:v1+s19+$0xFFFFFFB0 ss:$0x1], $0xffff  }
0x43: {  	v2 =	vld.idx.msk [tilespmem:v1+s19+$0xFFFFFFC0 ss:$0x1], $0xffff  }
0x44: {  	s31 =	sshll.u32 s13, $0xE;
	v3 =	vld.idx.msk [tilespmem:v1+s19+$0xFFFFFFD0 ss:$0x1], $0xffff  }
0x45: {  	s17 =	sand.u32 $0x4000, s31;
	v5 =	vld.idx.msk [tilespmem:v1+s19+$0xFFFFFFE0 ss:$0x1], $0xffff;
	[tilespmem:v0+s19+$0x30 ss:$0x1] =	vst.idx.msk $0xffff, v7  }
0x46: {  	s20 =	simm.s32 $0x400;
	s18 =	simm.s32 $0x80;
	s17 =	sor.u32 $0x8000, s17;
	[tilespmem:v0+s19+$0xFFFFFFC0 ss:$0x1] =	vst.idx.msk $0xffff, v8;
	v7 =	vld.idx.msk [tilespmem:v1+s19+$0xFFFFFFF0 ss:$0x1], $0xffff  }
.LBB1_3:
0x47: {  	p0 =	sne.s32 s20, $0xFE00;
	v8 =	vld.idx.msk [tilespmem:v1+s18+$0x0 ss:$0x1], $0xffff;
	[tilespmem:v0+s19+$0xFFFFFFD0 ss:$0x1] =	vst.idx.msk $0xffff, v6  }
0x48: {  	v9 =	vld.idx.msk [tilespmem:v1+s18+$0xFFFFFF90 ss:$0x1], $0xffff;
	[tilespmem:v0+s19+$0xFFFFFFE0 ss:$0x1] =	vst.idx.msk $0xffff, v4  }
0x49: {  	v6 =	vld.idx.msk [tilespmem:v1+s18+$0xFFFFFFA0 ss:$0x1], $0xffff;
	[tilespmem:v0+s19+$0xFFFFFFF0 ss:$0x1] =	vst.idx.msk $0xffff, v2  }
.Ltmp3:
0x4a: {  	v4 =	vld.idx.msk [tilespmem:v1+s18+$0xFFFFFFB0 ss:$0x1], $0xffff;
	[tilespmem:v0+s19+$0x0 ss:$0x1] =	vst.idx.msk $0xffff, v3;
	(pc) =	sbr.rel @p0 .LBB1_3-.Ltmp3, $4  }
0x4b: {  	v2 =	vld.idx.msk [tilespmem:v1+s18+$0xFFFFFFC0 ss:$0x1], $0xffff;
	[tilespmem:v0+s19+$0x10 ss:$0x1] =	vst.idx.msk $0xffff, v5  }
0x4c: {  	v3 =	vld.idx.msk [tilespmem:v1+s18+$0xFFFFFFD0 ss:$0x1], $0xffff;
	[tilespmem:v0+s19+$0x20 ss:$0x1] =	vst.idx.msk $0xffff, v7;
	s19 =	smov.u32 s18  }
0x4d: {  	v5 =	vld.idx.msk [tilespmem:v1+s19+$0xFFFFFFE0 ss:$0x1], $0xffff;
	[tilespmem:v0+s19+$0x30 ss:$0x1] =	vst.idx.msk $0xffff, v8  }
0x4e: {  	s18 =	sshra.s32 s20, $0x2;
	s20 =	sadd.s32 $0x200, s20;
	[tilespmem:v0+s19+$0xFFFFFFC0 ss:$0x1] =	vst.idx.msk $0xffff, v9;
	v7 =	vld.idx.msk [tilespmem:v1+s19+$0xFFFFFFF0 ss:$0x1], $0xffff  }
.Ltmp4:
0x4f: {  	_ = 	snop;
	(pc) =	sbr.rel .LBB1_4-.Ltmp4, $1  }
0x50: {  	_ =	sdelay $0x3  }
.LBB1_6:
0x51: {  	_ =	sfence.sel $0x180000  }
0x52: {  	s2 =	simm.s32 $0x1;
	[bflag:$0x0] =	sbarrier.arrive $0xFFFF  }
0x53: {  	s31 =	simm.s32 $0x2;
	[sflag:s2] =	ssyncpa.u1 $0x1  }
0x54: {  	[sflag:s31] =	ssyncpa.u1 $0x1  }
0x55: {  	p0 =	sne.s32 s0, $0x0;
	_ =	strace $0x90000047  }
0x56: {  	s0 =	sadd.s32 @!p0 $0x100000, s1;
	[bflag:$0x2] =	sbarrier.arrive $0xFFFF  }
0x57: {  	[sflag:s0] =	ssyncadd.tile.s32 @!p0 $0x1;
	_ =	shalt  }
.Lfunc_end1:
_tile_overlayer_lowered:
.L_overlay_start_2:
0x58: {  	(tag) =	ssettag $0x2  }
0x59: {  	s0 =	rddreg [dreg:$0x0];
	s2 =	stileid.u32  }
0x5a: {  	s1 =	rddreg [dreg:$0x1];
	p0 =	sne.s32 s2, $0x0  }
0x5b: {  	s3 =	rddreg [dreg:$0x2];
	[bflag:$0x3] =	sbarrier.arrive $0xFFFF;
	s2 =	simm.s32 @!p0 $0x1C01  }
0x5c: {  	[timem:s3], [sflag:s2] =	dma.local @!p0 [hbm:s0], s1  }
0x5d: {  	s0 =	simm.s32 @!p0 $0x1  }
0x5e: {  	_ =	swait.ge @!p0 [sflag:s0], s1  }
0x5f: {  	s1 =	ssub.s32 @!p0 $0x0, s1;
	[sflag:s0] =	ssyncset.done @!p0 $0x0  }
0x60: {  	[sflag:s0] =	ssyncadd.s32 @!p0 s1  }
0x61: {  	[bflag:$0x3] =	sbarrier.arrive $0xFFFF  }
0x62: {  	_ =	shalt  }

</sc_bundles>
